<compile_context>
chip_gen: v7x
topology: tpu7x:2x2x1
jax: 0.10.2.dev20260603
libtpu: 0.0.44.dev20260713+nightly
codegen_flags: <defaults>
</compile_context>

<pallas_src>
import functools

import jax
import jax.numpy as jnp
import numpy as np
from jax import lax
from jax.experimental import pallas as pl
from jax.experimental.pallas import tpu as pltpu
from jax.experimental.pallas import tpu_sc as plsc

DIM = 768
HEADS = 12
DIM_HEAD = 64
SEQ = 4096
BUCKET_SIZE = 64
N_HASHES = 4
N_BUCKETS = SEQ // BUCKET_SIZE
N_CHUNKS = N_HASHES * N_BUCKETS
TOKEN_SELF_ATTN_VALUE = -5e4

_F32 = jnp.float32


def _tri_consts():
    i = np.arange(64)
    t_incl = (i[None, :] <= i[:, None]).astype(np.float32)
    t_excl = (i[None, :] < i[:, None]).astype(np.float32)
    u_strict = (i[:, None] < i[None, :]).astype(np.float32)
    return jnp.asarray(t_incl), jnp.asarray(t_excl), jnp.asarray(u_strict)


def _diag_mask():
    m = np.zeros((64, 128), np.float32)
    m[np.arange(64), np.arange(64)] = 1.0
    return jnp.asarray(m)


def _proj_hash_body(x_ref, wqk_ref, wv_ref, rot_ref, ti_ref, te_ref, sel_ref,
                    selt_ref, us_ref, comb_ref, gpos_ref, btid_ref):
    h = pl.program_id(0)
    x = x_ref[...]
    qk = jnp.dot(x, wqk_ref[0], preferred_element_type=_F32)
    v = jnp.dot(x, wv_ref[0], preferred_element_type=_F32)
    comb_ref[0, :, 0:DIM_HEAD] = qk
    comb_ref[0, :, DIM_HEAD:2 * DIM_HEAD] = v

    p = jnp.dot(qk, rot_ref[...], preferred_element_type=_F32)
    t_incl, t_excl, u_strict = ti_ref[...], te_ref[...], us_ref[...]
    sel, selt = sel_ref[...], selt_ref[...]
    lane = jax.lax.broadcasted_iota(jnp.int32, (SEQ, N_BUCKETS), 1)
    tvec_row = jax.lax.broadcasted_iota(jnp.int32, (1, SEQ), 1).astype(_F32)
    for r in range(N_HASHES):
        scores = p[:, r * 64:(r + 1) * 64]
        m = jnp.max(scores, axis=1, keepdims=True)
        b_idx = jnp.min(jnp.where(scores == m, lane, N_BUCKETS),
                        axis=1, keepdims=True)
        onehot = (lane == b_idx).astype(_F32)
        o3 = onehot.reshape(64, 64, N_BUCKETS)
        inner = jnp.einsum('ij,bjk->bik', t_incl, o3,
                           preferred_element_type=_F32)
        c_in = inner.reshape(SEQ, N_BUCKETS)
        bsum = jnp.dot(sel, onehot, preferred_element_type=_F32)
        blk_offs = jnp.dot(t_excl, bsum,
                           preferred_element_type=_F32)
        bo2d = jnp.dot(selt, blk_offs, preferred_element_type=_F32)
        counts = jnp.sum(bsum, axis=0, keepdims=True)
        b_offs = jnp.dot(counts, u_strict, preferred_element_type=_F32)
        pmat = onehot * (c_in - 1.0 + bo2d + b_offs)
        pos = jnp.sum(pmat.reshape(64, 64, N_BUCKETS), axis=2)
        base = (h * N_HASHES + r) * SEQ
        gpos = pos.astype(jnp.int32) + base
        gpos_ref[0, r * 4:(r + 1) * 4, :] = gpos.reshape(4, 1024)

        pos_flat = pos.reshape(SEQ, 1)
        slot_lane = jax.lax.broadcasted_iota(jnp.int32, (SEQ, 128), 1)
        slots = jnp.where(slot_lane < 64, slot_lane, slot_lane + (SEQ - 128))
        hit = (pos_flat.astype(jnp.int32) == slots).astype(_F32)
        btid = jnp.dot(tvec_row, hit, preferred_element_type=_F32)
        btid_ref[0, 2 * r:2 * r + 1, :] = btid[:, 0:64]
        btid_ref[0, 2 * r + 1:2 * r + 2, :] = btid[:, 64:128]


def _attn_body(cur_ref, halo_ref, btid_ref, dmask_ref, out_ref):
    q = pl.program_id(1)
    cur = cur_ref[0]
    halo = halo_ref[0, 0]
    prevs = jnp.concatenate([halo[None], cur[:-1]], axis=0)
    kv = jnp.concatenate([cur, prevs], axis=1)
    bq = cur[:, :, 0:DIM_HEAD]
    bqk_k = kv[:, :, 0:DIM_HEAD]
    norm = jnp.sqrt(jnp.sum(bqk_k * bqk_k, axis=2, keepdims=True))
    bk = bqk_k / jnp.maximum(norm, 1e-12)
    bv = kv[:, :, DIM_HEAD:2 * DIM_HEAD]
    dots = jax.lax.dot_general(
        bq, bk, (((2,), (2,)), ((0,), (0,))),
        preferred_element_type=_F32) * (DIM_HEAD ** -0.5)
    dm = dmask_ref[...][None]
    dots = dots - dm * dots + TOKEN_SELF_ATTN_VALUE * dm
    qt_b = btid_ref[0, pl.ds(2 * q, 1), :]
    r_prev = (q + N_HASHES - 1) % N_HASHES
    kt_b = btid_ref[0, pl.ds(2 * r_prev + 1, 1), :]
    ktx = jnp.concatenate(
        [jnp.full((1, 64), -1.0, _F32), kt_b], axis=1)
    qt_col = jnp.broadcast_to(qt_b, (64, 64)).T[:, 0:1]
    bnd = (qt_col[None] == ktx[:, None, :]).astype(_F32)
    d0 = dots[0:1]
    d0 = d0 - bnd * d0 + TOKEN_SELF_ATTN_VALUE * bnd
    dots = jnp.concatenate([d0, dots[1:]], axis=0)
    m = jnp.max(dots, axis=2, keepdims=True)
    ex = jnp.exp(dots - m)
    s = jnp.sum(ex, axis=2, keepdims=True)
    lse = m + jnp.log(s)
    pr = ex / s
    bo = jax.lax.dot_general(
        pr, bv, (((2,), (1,)), ((0,), (0,))),
        preferred_element_type=_F32)
    out_ref[0, :, :, 0:DIM_HEAD] = bo
    out_ref[0, :, :, DIM_HEAD:2 * DIM_HEAD] = jnp.broadcast_to(
        lse, (64, 64, DIM_HEAD))


def _combine_body(u0_ref, u1_ref, wout_ref, out_ref):
    ys = []
    for ref in (u0_ref, u1_ref):
        u = ref[...]
        logit = u[:, :, :, DIM_HEAD:DIM_HEAD + 1]
        m = jnp.max(logit, axis=1, keepdims=True)
        ex = jnp.exp(logit - m)
        s = jnp.sum(ex, axis=1, keepdims=True)
        lse = m + jnp.log(s)
        probs = jnp.exp(logit - lse)
        y_h = jnp.sum(u[:, :, :, 0:DIM_HEAD] * probs, axis=1)
        ys.extend([y_h[i] for i in range(y_h.shape[0])])
    y = jnp.concatenate(ys, axis=1)
    out_ref[...] = jnp.dot(y, wout_ref[...], preferred_element_type=_F32)


SC_WIN = 128
SC_NW = 32

def _sc_mesh():
    return plsc.VectorSubcoreMesh(core_axis_name="c", subcore_axis_name="s")


def _sc_scatter_rows(comb2, gpos):
    d = comb2.shape[1]
    n = gpos.shape[0]
    wins_per_w = n // (SC_WIN * SC_NW)

    @functools.partial(
        pl.kernel, mesh=_sc_mesh(),
        out_type=jax.ShapeDtypeStruct((n, d), comb2.dtype),
        scratch_types=[
            pltpu.VMEM((SC_WIN,), jnp.int32),
            pltpu.VMEM((SC_WIN, d), comb2.dtype),
        ],
    )
    def _k(comb_hbm, idx_hbm, out_hbm, idx_v, rows_v):
        wid = lax.axis_index("s") * 2 + lax.axis_index("c")

        @pl.loop(0, wins_per_w)
        def _(w):
            base = (wid * wins_per_w + w) * SC_WIN
            src = (base // (N_HASHES * SEQ)) * SEQ + base % SEQ
            pltpu.sync_copy(idx_hbm.at[pl.ds(base, SC_WIN)], idx_v)
            pltpu.sync_copy(comb_hbm.at[pl.ds(src, SC_WIN)], rows_v)
            pltpu.sync_copy(rows_v, out_hbm.at[idx_v])

    return _k(comb2, gpos)


def _sc_gather_rows(table, gpos):
    d = table.shape[1]
    n = gpos.shape[0]
    wins_per_w = n // (SC_WIN * SC_NW)

    @functools.partial(
        pl.kernel, mesh=_sc_mesh(),
        out_type=jax.ShapeDtypeStruct((n, d), table.dtype),
        scratch_types=[
            pltpu.VMEM((SC_WIN,), jnp.int32),
            pltpu.VMEM((SC_WIN, d), table.dtype),
            pltpu.SemaphoreType.DMA,
        ],
    )
    def _k(table_hbm, idx_hbm, out_hbm, idx_v, rows_v, sem):
        wid = lax.axis_index("s") * 2 + lax.axis_index("c")

        @pl.loop(0, wins_per_w)
        def _(w):
            base = (wid * wins_per_w + w) * SC_WIN
            pltpu.sync_copy(idx_hbm.at[pl.ds(base, SC_WIN)], idx_v)
            pltpu.async_copy(table_hbm.at[idx_v], rows_v, sem).wait()
            pltpu.sync_copy(rows_v, out_hbm.at[pl.ds(base, SC_WIN)])

    return _k(table, gpos)


def _rotations():
    rot = jax.random.normal(jax.random.key(42), (1, DIM_HEAD, N_HASHES, N_BUCKETS // 2),
                            dtype=_F32)[0]
    cols = []
    for r in range(N_HASHES):
        cols.append(rot[:, r, :])
        cols.append(-rot[:, r, :])
    return jnp.concatenate(cols, axis=1)


def _sel_consts():
    blk = np.repeat(np.arange(64), 64)
    sel = (np.arange(64)[:, None] == blk[None, :]).astype(np.float32)
    return jnp.asarray(sel), jnp.asarray(sel.T)


@jax.jit
def kernel(x, Wqk, Wv, Wout):
    b, t, e = x.shape
    x2 = x.reshape(t, e)
    rot = _rotations()
    t_incl, t_excl, u_strict = _tri_consts()
    sel, selt = _sel_consts()
    dmask = _diag_mask()
    wqk_h = Wqk.reshape(DIM, HEADS, DIM_HEAD).transpose(1, 0, 2)
    wv_h = Wv.reshape(DIM, HEADS, DIM_HEAD).transpose(1, 0, 2)

    HG = HEADS // 2
    group_uns = []
    for g in range(2):
        sl = slice(g * HG, (g + 1) * HG)
        comb, gpos, btid = pl.pallas_call(
            _proj_hash_body,
            grid=(HG,),
            in_specs=[
                pl.BlockSpec((SEQ, DIM), lambda h: (0, 0)),
                pl.BlockSpec((1, DIM, DIM_HEAD), lambda h: (h, 0, 0)),
                pl.BlockSpec((1, DIM, DIM_HEAD), lambda h: (h, 0, 0)),
                pl.BlockSpec((DIM_HEAD, 256), lambda h: (0, 0)),
                pl.BlockSpec((64, 64), lambda h: (0, 0)),
                pl.BlockSpec((64, 64), lambda h: (0, 0)),
                pl.BlockSpec((64, SEQ), lambda h: (0, 0)),
                pl.BlockSpec((SEQ, 64), lambda h: (0, 0)),
                pl.BlockSpec((64, 64), lambda h: (0, 0)),
            ],
            out_specs=[
                pl.BlockSpec((1, SEQ, 128), lambda h: (h, 0, 0)),
                pl.BlockSpec((1, 16, 1024), lambda h: (h, 0, 0)),
                pl.BlockSpec((1, 8, 64), lambda h: (h, 0, 0)),
            ],
            out_shape=[
                jax.ShapeDtypeStruct((HG, SEQ, 128), _F32),
                jax.ShapeDtypeStruct((HG, 16, 1024), jnp.int32),
                jax.ShapeDtypeStruct((HG, 8, 64), _F32),
            ],
        )(x2, wqk_h[sl], wv_h[sl], rot, t_incl, t_excl, sel, selt, u_strict)

        gpos_flat = gpos.reshape(HG * N_HASHES * SEQ)

        so_comb = _sc_scatter_rows(comb.reshape(HG * SEQ, 128), gpos_flat)

        so_view = so_comb.reshape(HG, N_CHUNKS, BUCKET_SIZE, 128)
        so_att = pl.pallas_call(
            _attn_body,
            grid=(HG, 4),
            in_specs=[
                pl.BlockSpec((1, 64, BUCKET_SIZE, 128),
                             lambda h, q: (h, q, 0, 0)),
                pl.BlockSpec((1, 1, BUCKET_SIZE, 128),
                             lambda h, q: (h, (64 * q + N_CHUNKS - 1) % N_CHUNKS, 0, 0)),
                pl.BlockSpec((1, 8, 64), lambda h, q: (h, 0, 0)),
                pl.BlockSpec((64, 128), lambda h, q: (0, 0)),
            ],
            out_specs=pl.BlockSpec((1, 64, BUCKET_SIZE, 128),
                                   lambda h, q: (h, q, 0, 0)),
            out_shape=jax.ShapeDtypeStruct((HG, N_CHUNKS, BUCKET_SIZE, 128), _F32),
        )(so_view, so_view, btid, dmask)

        uns = _sc_gather_rows(so_att.reshape(-1, 128), gpos_flat)
        group_uns.append(uns.reshape(HG, N_HASHES, SEQ, 128))

    TB = 512
    out = pl.pallas_call(
        _combine_body,
        grid=(SEQ // TB,),
        in_specs=[
            pl.BlockSpec((HG, N_HASHES, TB, 128), lambda i: (0, 0, i, 0)),
            pl.BlockSpec((HG, N_HASHES, TB, 128), lambda i: (0, 0, i, 0)),
            pl.BlockSpec((DIM, DIM), lambda i: (0, 0)),
        ],
        out_specs=pl.BlockSpec((TB, DIM), lambda i: (i, 0)),
        out_shape=jax.ShapeDtypeStruct((SEQ, DIM), _F32),
    )(group_uns[0], group_uns[1], Wout)

    return out.reshape(b, t, e)

# --- scband reference (transcript-rebuilt; emitter-appended) ---
"""Pipeline reference for scband-lshself-attention-8366596293018 (READ-ONLY COPY).

The authoritative reference and input builder live on the scoring server;
editing this copy changes nothing except your own understanding.
"""

import jax, jax.numpy as jnp
import numpy as np

DIM = 768
HEADS = 12
DIM_HEAD = DIM // HEADS
BUCKET_SIZE = 64
N_HASHES = 4
TOKEN_SELF_ATTN_VALUE = -5e4


def setup_inputs(seed: int = 0):
    key = jax.random.key(seed)
    k1, k2, k3, k4 = jax.random.split(key, 4)
    b, t = 1, 4096
    x = jax.random.normal(k1, (b, t, DIM), dtype=jnp.float32)
    Wqk = jax.random.normal(k2, (DIM, DIM), dtype=jnp.float32) * (DIM ** -0.5)
    Wv = jax.random.normal(k3, (DIM, DIM), dtype=jnp.float32) * (DIM ** -0.5)
    Wout = jax.random.normal(k4, (DIM, DIM), dtype=jnp.float32) * (DIM ** -0.5)
    return {"x": x, "Wqk": Wqk, "Wv": Wv, "Wout": Wout}


def _hash_vectors(key, vecs, n_buckets, n_hashes):
    # random rotations shared across the batch*heads dim (random_rotations_per_head=False)
    bh, seqlen, dim = vecs.shape
    rot = jax.random.normal(key, (1, dim, n_hashes, n_buckets // 2), dtype=vecs.dtype)
    rot = jnp.broadcast_to(rot, (bh, dim, n_hashes, n_buckets // 2))
    rotated = jnp.einsum('btf,bfhi->bhti', vecs, rot)
    rotated = jnp.concatenate([rotated, -rotated], axis=-1)
    buckets = jnp.argmax(rotated, axis=-1)  # (bh, n_hashes, seqlen)
    offsets = (jnp.arange(n_hashes) * n_buckets).reshape(1, -1, 1)
    return (buckets + offsets).reshape(bh, -1)


def _look_one_back(x):
    x_extra = jnp.concatenate([x[:, -1:], x[:, :-1]], axis=1)
    return jnp.concatenate([x, x_extra], axis=2)


def _lsh_attention(qk, v, key):
    bh, seqlen, dim = qk.shape
    n_buckets = seqlen // BUCKET_SIZE
    buckets = _hash_vectors(key, jax.lax.stop_gradient(qk), n_buckets, N_HASHES)
    ticker = jnp.broadcast_to(jnp.arange(N_HASHES * seqlen)[None, :], buckets.shape)
    buckets_and_t = seqlen * buckets + (ticker % seqlen)
    # sort_key_val(buckets_and_t, ticker) with ticker == arange -> sticker is argsort
    sticker = jnp.argsort(buckets_and_t, axis=-1)
    undo_sort = jnp.argsort(sticker, axis=-1)
    st = sticker % seqlen
    sqk = jnp.take_along_axis(qk, st[:, :, None], axis=1)
    sv = jnp.take_along_axis(v, st[:, :, None], axis=1)
    n_chunks = N_HASHES * n_buckets
    bq_t = st.reshape(bh, n_chunks, -1)
    bkv_t = bq_t
    bqk = sqk.reshape(bh, n_chunks, -1, dim)
    bv = sv.reshape(bh, n_chunks, -1, dim)
    bq = bqk
    norm = jnp.maximum(jnp.linalg.norm(bqk, axis=-1, keepdims=True), 1e-12)
    bk = bqk / norm
    bk = _look_one_back(bk)
    bv = _look_one_back(bv)
    bkv_t = _look_one_back(bkv_t)
    dots = jnp.einsum('bhie,bhje->bhij', bq, bk) * (dim ** -0.5)
    # mask out attention to self (token never attends to itself except as fallback)
    self_mask = bq_t[:, :, :, None] == bkv_t[:, :, None, :]
    dots = jnp.where(self_mask, TOKEN_SELF_ATTN_VALUE, dots)
    dots_logsumexp = jax.scipy.special.logsumexp(dots, axis=-1, keepdims=True)
    dots_exp = jnp.exp(dots - dots_logsumexp)
    bo = jnp.einsum('buij,buje->buie', dots_exp, bv)
    so = bo.reshape(bh, -1, dim)
    slogits = dots_logsumexp.reshape(bh, -1)
    o = jnp.take_along_axis(so, undo_sort[:, :, None], axis=1)
    logits = jnp.take_along_axis(slogits, undo_sort, axis=1)
    o = o.reshape(bh, N_HASHES, seqlen, dim)
    logits = logits.reshape(bh, N_HASHES, seqlen, 1)
    probs = jnp.exp(logits - jax.scipy.special.logsumexp(logits, axis=1, keepdims=True))
    return jnp.sum(o * probs, axis=1)


def reference(x, Wqk, Wv, Wout):
    b, t, e = x.shape
    h, dh = HEADS, DIM_HEAD
    qk = x @ Wqk
    v = x @ Wv

    def merge_heads(z):
        return z.reshape(b, t, h, dh).transpose(0, 2, 1, 3).reshape(b * h, t, dh)

    qk = merge_heads(qk)
    v = merge_heads(v)
    out = _lsh_attention(qk, v, jax.random.key(42))
    out = out.reshape(b, h, t, dh).transpose(0, 2, 1, 3).reshape(b, t, h * dh)
    return out @ Wout

if __name__ == "__main__":
    import jax
    _d = setup_inputs()
    print(jax.jit(kernel)(*tuple(_d.values())))

</pallas_src>

<mosaic_0001>
#map = affine_map<(d0, d1) -> (0, 0)>
#map1 = affine_map<(d0, d1) -> (0)>
module attributes {stable_mosaic.version = 14 : i64} {
  func.func @_k(%arg0: i32, %arg1: i32, %arg2: memref<24576x128xf32, #tpu.memory_space<hbm>>, %arg3: memref<98304xi32, #tpu.memory_space<hbm>>, %arg4: memref<98304x128xf32, #tpu.memory_space<hbm>>, %arg5: memref<128xi32, #tpu.memory_space<vmem>>, %arg6: memref<128x128xf32, #tpu.memory_space<vmem>>) attributes {dimension_semantics = [#tpu.dimension_semantics<core_parallel>, #tpu.dimension_semantics<subcore_parallel>], iteration_bounds = array<i64: 2, 16>, scalar_prefetch = 0 : i64, scratch_operands = 2 : i64, tpu.core_type = #tpu.core_type<sc_vector_subcore>, window_params = [{transform_indices = #map}, {transform_indices = #map1}, {transform_indices = #map}]} {
    %mul3A = arith.constant 2 : i32
    %mul3A_0 = arith.muli %arg1, %mul3A : i32
    %add3A = arith.addi %mul3A_0, %arg0 : i32
    %scan3A = arith.constant 0 : i32
    %scan3A_1 = arith.constant 24 : i32
    %scan3A_2 = arith.addi %scan3A, %scan3A_1 : i32
    %scan3A_3 = arith.constant 1 : i32
    scf.for %scan3A_5 = %scan3A to %scan3A_2 step %scan3A_3  : i32 {
      %mul3A_6 = arith.constant 1 : i32
      %mul3A_7 = arith.muli %scan3A_5, %mul3A_6 : i32
      %add3A_8 = arith.constant 0 : i32
      %add3A_9 = arith.addi %add3A_8, %mul3A_7 : i32
      %mul3A_10 = arith.constant 24 : i32
      %mul3A_11 = arith.muli %add3A, %mul3A_10 : i32
      %add3A_12 = arith.addi %mul3A_11, %add3A_9 : i32
      %mul3A_13 = arith.constant 128 : i32
      %mul3A_14 = arith.muli %add3A_12, %mul3A_13 : i32
      %jit3A = arith.constant 16384 : i32
      %div3A = arith.divsi %mul3A_14, %jit3A : i32
      %sign3A = arith.constant 0 : i32
      %sign3A_15 = arith.cmpi sgt, %mul3A_14, %sign3A : i32
      %sign3A_16 = arith.extui %sign3A_15 : i1 to i32
      %sign3A_17 = arith.constant 0 : i32
      %sign3A_18 = arith.cmpi slt, %mul3A_14, %sign3A_17 : i32
      %sign3A_19 = arith.extui %sign3A_18 : i1 to i32
      %sign3A_20 = arith.subi %sign3A_16, %sign3A_19 : i32
      %sign3A_21 = arith.constant 0 : i32
      %sign3A_22 = arith.cmpi sgt, %jit3A, %sign3A_21 : i32
      %sign3A_23 = arith.extui %sign3A_22 : i1 to i32
      %sign3A_24 = arith.constant 0 : i32
      %sign3A_25 = arith.cmpi slt, %jit3A, %sign3A_24 : i32
      %sign3A_26 = arith.extui %sign3A_25 : i1 to i32
      %sign3A_27 = arith.subi %sign3A_23, %sign3A_26 : i32
      %ne3A = arith.cmpi ne, %sign3A_20, %sign3A_27 : i32
      %rem3A = arith.remsi %mul3A_14, %jit3A : i32
      %ne3A_28 = arith.constant 0 : i32
      %ne3A_29 = arith.cmpi ne, %rem3A, %ne3A_28 : i32
      %and3A = arith.andi %ne3A, %ne3A_29 : i1
      %sub3A = arith.constant 1 : i32
      %sub3A_30 = arith.subi %div3A, %sub3A : i32
      %select_n3A = arith.select %and3A, %sub3A_30, %div3A : i32
      %mul3A_31 = arith.constant 4096 : i32
      %mul3A_32 = arith.muli %select_n3A, %mul3A_31 : i32
      %jit3A_33 = arith.constant 4096 : i32
      %eq3A = arith.constant 0 : i32
      %eq3A_34 = arith.cmpi eq, %jit3A_33, %eq3A : i32
      %jit3A_35 = arith.constant 1 : i32
      %select_n3A_36 = arith.select %eq3A_34, %jit3A_35, %jit3A_33 : i32
      %rem3A_37 = arith.remsi %mul3A_14, %select_n3A_36 : i32
      %ne3A_38 = arith.constant 0 : i32
      %ne3A_39 = arith.cmpi ne, %rem3A_37, %ne3A_38 : i32
      %lt3A = arith.constant 0 : i32
      %lt3A_40 = arith.cmpi slt, %rem3A_37, %lt3A : i32
      %lt3A_41 = arith.constant 0 : i32
      %lt3A_42 = arith.cmpi slt, %select_n3A_36, %lt3A_41 : i32
      %ne3A_43 = arith.xori %lt3A_40, %lt3A_42 : i1
      %and3A_44 = arith.andi %ne3A_43, %ne3A_39 : i1
      %add3A_45 = arith.addi %rem3A_37, %select_n3A_36 : i32
      %select_n3A_46 = arith.select %and3A_44, %add3A_45, %rem3A_37 : i32
      %add3A_47 = arith.addi %mul3A_32, %select_n3A_46 : i32
      "tpu.region"() ({
        %run_scoped3A = tpu.sem_alloc : memref<!tpu.dma_semaphore, #tpu.memory_space<semaphore_mem>>
        %dma_start3A = tpu.memref_slice %arg3[%mul3A_14] : memref<98304xi32, #tpu.memory_space<hbm>> -> memref<128xi32, #tpu.memory_space<hbm>>
        %dma_start3A_48 = tpu.memref_slice %arg3[%mul3A_14] : memref<98304xi32, #tpu.memory_space<hbm>> -> memref<128xi32, #tpu.memory_space<hbm>>
        tpu.enqueue_dma source(%dma_start3A_48 : memref<128xi32, #tpu.memory_space<hbm>>) target(%arg5 : memref<128xi32, #tpu.memory_space<vmem>>) target_semaphore(%run_scoped3A : memref<!tpu.dma_semaphore, #tpu.memory_space<semaphore_mem>>)
        %dma_wait3A = tpu.memref_slice %arg3[%mul3A_14] : memref<98304xi32, #tpu.memory_space<hbm>> -> memref<128xi32, #tpu.memory_space<hbm>>
        %dma_wait3A_49 = tpu.memref_slice %arg3[%mul3A_14] : memref<98304xi32, #tpu.memory_space<hbm>> -> memref<128xi32, #tpu.memory_space<hbm>>
        tpu.wait_dma2 semaphore(%run_scoped3A : memref<!tpu.dma_semaphore, #tpu.memory_space<semaphore_mem>>) src(%dma_wait3A_49 : memref<128xi32, #tpu.memory_space<hbm>>) dst(%arg5 : memref<128xi32, #tpu.memory_space<vmem>>)
        tpu.yield
      }) : () -> ()
      "tpu.region"() ({
        %run_scoped3A = tpu.sem_alloc : memref<!tpu.dma_semaphore, #tpu.memory_space<semaphore_mem>>
        %dma_start3A = arith.constant 0 : i32
        %dma_start3A_48 = tpu.memref_slice %arg2[%add3A_47, %dma_start3A] : memref<24576x128xf32, #tpu.memory_space<hbm>> -> memref<128x128xf32, #tpu.memory_space<hbm>>
        %dma_start3A_49 = arith.constant 0 : i32
        %dma_start3A_50 = tpu.memref_slice %arg2[%add3A_47, %dma_start3A_49] : memref<24576x128xf32, #tpu.memory_space<hbm>> -> memref<128x128xf32, #tpu.memory_space<hbm>>
        tpu.enqueue_dma source(%dma_start3A_50 : memref<128x128xf32, #tpu.memory_space<hbm>>) target(%arg6 : memref<128x128xf32, #tpu.memory_space<vmem>>) target_semaphore(%run_scoped3A : memref<!tpu.dma_semaphore, #tpu.memory_space<semaphore_mem>>)
        %dma_wait3A = arith.constant 0 : i32
        %dma_wait3A_51 = tpu.memref_slice %arg2[%add3A_47, %dma_wait3A] : memref<24576x128xf32, #tpu.memory_space<hbm>> -> memref<128x128xf32, #tpu.memory_space<hbm>>
        %dma_wait3A_52 = arith.constant 0 : i32
        %dma_wait3A_53 = tpu.memref_slice %arg2[%add3A_47, %dma_wait3A_52] : memref<24576x128xf32, #tpu.memory_space<hbm>> -> memref<128x128xf32, #tpu.memory_space<hbm>>
        tpu.wait_dma2 semaphore(%run_scoped3A : memref<!tpu.dma_semaphore, #tpu.memory_space<semaphore_mem>>) src(%dma_wait3A_53 : memref<128x128xf32, #tpu.memory_space<hbm>>) dst(%arg6 : memref<128x128xf32, #tpu.memory_space<vmem>>)
        tpu.yield
      }) : () -> ()
      "tpu.region"() ({
        %run_scoped3A = tpu.sem_alloc : memref<!tpu.dma_semaphore, #tpu.memory_space<semaphore_mem>>
        %dma_start3A = arith.constant 0 : i32
        %dma_start3A_48 = arith.constant 0 : i32
        %dma_start3A_49 = tpu.memref_slice %arg4[%dma_start3A, %dma_start3A_48] : memref<98304x128xf32, #tpu.memory_space<hbm>> -> memref<98304x128xf32, #tpu.memory_space<hbm>>
        tpu.enqueue_indirect_dma source(%arg6 : memref<128x128xf32, #tpu.memory_space<vmem>>) target(%dma_start3A_49 : memref<98304x128xf32, #tpu.memory_space<hbm>>) offsets(%arg5 : memref<128xi32, #tpu.memory_space<vmem>>) semaphore(%run_scoped3A : memref<!tpu.dma_semaphore, #tpu.memory_space<semaphore_mem>>)
        %dma_wait3A = arith.constant 0 : i32
        %dma_wait3A_50 = arith.constant 0 : i32
        %dma_wait3A_51 = tpu.memref_slice %arg4[%dma_wait3A, %dma_wait3A_50] : memref<98304x128xf32, #tpu.memory_space<hbm>> -> memref<98304x128xf32, #tpu.memory_space<hbm>>
        tpu.wait_indirect_dma semaphore(%run_scoped3A : memref<!tpu.dma_semaphore, #tpu.memory_space<semaphore_mem>>) src(%arg6 : memref<128x128xf32, #tpu.memory_space<vmem>>) dst(%dma_wait3A_51 : memref<98304x128xf32, #tpu.memory_space<hbm>>)
        tpu.yield
      }) : () -> ()
    }
    %scan3A_4 = arith.constant 24 : i32
    return
  }
}

#map = affine_map<(d0, d1) -> (0, 0)>
#map1 = affine_map<(d0, d1) -> (0)>
module attributes {stable_mosaic.version = 14 : i64} {
  func.func @_k(%arg0: i32, %arg1: i32, %arg2: memref<98304x128xf32, #tpu.memory_space<hbm>>, %arg3: memref<98304xi32, #tpu.memory_space<hbm>>, %arg4: memref<98304x128xf32, #tpu.memory_space<hbm>>, %arg5: memref<128xi32, #tpu.memory_space<vmem>>, %arg6: memref<128x128xf32, #tpu.memory_space<vmem>>, %arg7: memref<!tpu.dma_semaphore, #tpu.memory_space<semaphore_mem>>) attributes {dimension_semantics = [#tpu.dimension_semantics<core_parallel>, #tpu.dimension_semantics<subcore_parallel>], iteration_bounds = array<i64: 2, 16>, scalar_prefetch = 0 : i64, scratch_operands = 3 : i64, tpu.core_type = #tpu.core_type<sc_vector_subcore>, window_params = [{transform_indices = #map}, {transform_indices = #map1}, {transform_indices = #map}]} {
    %mul3A = arith.constant 2 : i32
    %mul3A_0 = arith.muli %arg1, %mul3A : i32
    %add3A = arith.addi %mul3A_0, %arg0 : i32
    %scan3A = arith.constant 0 : i32
    %scan3A_1 = arith.constant 24 : i32
    %scan3A_2 = arith.addi %scan3A, %scan3A_1 : i32
    %scan3A_3 = arith.constant 1 : i32
    scf.for %scan3A_5 = %scan3A to %scan3A_2 step %scan3A_3  : i32 {
      %mul3A_6 = arith.constant 1 : i32
      %mul3A_7 = arith.muli %scan3A_5, %mul3A_6 : i32
      %add3A_8 = arith.constant 0 : i32
      %add3A_9 = arith.addi %add3A_8, %mul3A_7 : i32
      %mul3A_10 = arith.constant 24 : i32
      %mul3A_11 = arith.muli %add3A, %mul3A_10 : i32
      %add3A_12 = arith.addi %mul3A_11, %add3A_9 : i32
      %mul3A_13 = arith.constant 128 : i32
      %mul3A_14 = arith.muli %add3A_12, %mul3A_13 : i32
      "tpu.region"() ({
        %run_scoped3A = tpu.sem_alloc : memref<!tpu.dma_semaphore, #tpu.memory_space<semaphore_mem>>
        %dma_start3A_19 = tpu.memref_slice %arg3[%mul3A_14] : memref<98304xi32, #tpu.memory_space<hbm>> -> memref<128xi32, #tpu.memory_space<hbm>>
        %dma_start3A_20 = tpu.memref_slice %arg3[%mul3A_14] : memref<98304xi32, #tpu.memory_space<hbm>> -> memref<128xi32, #tpu.memory_space<hbm>>
        tpu.enqueue_dma source(%dma_start3A_20 : memref<128xi32, #tpu.memory_space<hbm>>) target(%arg5 : memref<128xi32, #tpu.memory_space<vmem>>) target_semaphore(%run_scoped3A : memref<!tpu.dma_semaphore, #tpu.memory_space<semaphore_mem>>)
        %dma_wait3A_21 = tpu.memref_slice %arg3[%mul3A_14] : memref<98304xi32, #tpu.memory_space<hbm>> -> memref<128xi32, #tpu.memory_space<hbm>>
        %dma_wait3A_22 = tpu.memref_slice %arg3[%mul3A_14] : memref<98304xi32, #tpu.memory_space<hbm>> -> memref<128xi32, #tpu.memory_space<hbm>>
        tpu.wait_dma2 semaphore(%run_scoped3A : memref<!tpu.dma_semaphore, #tpu.memory_space<semaphore_mem>>) src(%dma_wait3A_22 : memref<128xi32, #tpu.memory_space<hbm>>) dst(%arg5 : memref<128xi32, #tpu.memory_space<vmem>>)
        tpu.yield
      }) : () -> ()
      %dma_start3A = arith.constant 0 : i32
      %dma_start3A_15 = arith.constant 0 : i32
      %dma_start3A_16 = tpu.memref_slice %arg2[%dma_start3A, %dma_start3A_15] : memref<98304x128xf32, #tpu.memory_space<hbm>> -> memref<98304x128xf32, #tpu.memory_space<hbm>>
      tpu.enqueue_indirect_dma source(%dma_start3A_16 : memref<98304x128xf32, #tpu.memory_space<hbm>>) target(%arg6 : memref<128x128xf32, #tpu.memory_space<vmem>>) offsets(%arg5 : memref<128xi32, #tpu.memory_space<vmem>>) semaphore(%arg7 : memref<!tpu.dma_semaphore, #tpu.memory_space<semaphore_mem>>)
      %dma_wait3A = arith.constant 0 : i32
      %dma_wait3A_17 = arith.constant 0 : i32
      %dma_wait3A_18 = tpu.memref_slice %arg2[%dma_wait3A, %dma_wait3A_17] : memref<98304x128xf32, #tpu.memory_space<hbm>> -> memref<98304x128xf32, #tpu.memory_space<hbm>>
      tpu.wait_indirect_dma semaphore(%arg7 : memref<!tpu.dma_semaphore, #tpu.memory_space<semaphore_mem>>) src(%dma_wait3A_18 : memref<98304x128xf32, #tpu.memory_space<hbm>>) dst(%arg6 : memref<128x128xf32, #tpu.memory_space<vmem>>)
      "tpu.region"() ({
        %run_scoped3A = tpu.sem_alloc : memref<!tpu.dma_semaphore, #tpu.memory_space<semaphore_mem>>
        %dma_start3A_19 = arith.constant 0 : i32
        %dma_start3A_20 = tpu.memref_slice %arg4[%mul3A_14, %dma_start3A_19] : memref<98304x128xf32, #tpu.memory_space<hbm>> -> memref<128x128xf32, #tpu.memory_space<hbm>>
        %dma_start3A_21 = arith.constant 0 : i32
        %dma_start3A_22 = tpu.memref_slice %arg4[%mul3A_14, %dma_start3A_21] : memref<98304x128xf32, #tpu.memory_space<hbm>> -> memref<128x128xf32, #tpu.memory_space<hbm>>
        tpu.enqueue_dma source(%arg6 : memref<128x128xf32, #tpu.memory_space<vmem>>) target(%dma_start3A_22 : memref<128x128xf32, #tpu.memory_space<hbm>>) target_semaphore(%run_scoped3A : memref<!tpu.dma_semaphore, #tpu.memory_space<semaphore_mem>>)
        %dma_wait3A_23 = arith.constant 0 : i32
        %dma_wait3A_24 = tpu.memref_slice %arg4[%mul3A_14, %dma_wait3A_23] : memref<98304x128xf32, #tpu.memory_space<hbm>> -> memref<128x128xf32, #tpu.memory_space<hbm>>
        %dma_wait3A_25 = arith.constant 0 : i32
        %dma_wait3A_26 = tpu.memref_slice %arg4[%mul3A_14, %dma_wait3A_25] : memref<98304x128xf32, #tpu.memory_space<hbm>> -> memref<128x128xf32, #tpu.memory_space<hbm>>
        tpu.wait_dma2 semaphore(%run_scoped3A : memref<!tpu.dma_semaphore, #tpu.memory_space<semaphore_mem>>) src(%arg6 : memref<128x128xf32, #tpu.memory_space<vmem>>) dst(%dma_wait3A_26 : memref<128x128xf32, #tpu.memory_space<hbm>>)
        tpu.yield
      }) : () -> ()
    }
    %scan3A_4 = arith.constant 24 : i32
    return
  }
}

#map = affine_map<(d0, d1) -> (0, 0)>
#map1 = affine_map<(d0, d1) -> (0)>
module attributes {stable_mosaic.version = 14 : i64} {
  func.func @_k(%arg0: i32, %arg1: i32, %arg2: memref<98304x128xf32, #tpu.memory_space<hbm>>, %arg3: memref<98304xi32, #tpu.memory_space<hbm>>, %arg4: memref<98304x128xf32, #tpu.memory_space<hbm>>, %arg5: memref<128xi32, #tpu.memory_space<vmem>>, %arg6: memref<128x128xf32, #tpu.memory_space<vmem>>, %arg7: memref<!tpu.dma_semaphore, #tpu.memory_space<semaphore_mem>>) attributes {dimension_semantics = [#tpu.dimension_semantics<core_parallel>, #tpu.dimension_semantics<subcore_parallel>], iteration_bounds = array<i64: 2, 16>, scalar_prefetch = 0 : i64, scratch_operands = 3 : i64, tpu.core_type = #tpu.core_type<sc_vector_subcore>, window_params = [{transform_indices = #map}, {transform_indices = #map1}, {transform_indices = #map}]} {
    %mul3A = arith.constant 2 : i32
    %mul3A_0 = arith.muli %arg1, %mul3A : i32
    %add3A = arith.addi %mul3A_0, %arg0 : i32
    %scan3A = arith.constant 0 : i32
    %scan3A_1 = arith.constant 24 : i32
    %scan3A_2 = arith.addi %scan3A, %scan3A_1 : i32
    %scan3A_3 = arith.constant 1 : i32
    scf.for %scan3A_5 = %scan3A to %scan3A_2 step %scan3A_3  : i32 {
      %mul3A_6 = arith.constant 1 : i32
      %mul3A_7 = arith.muli %scan3A_5, %mul3A_6 : i32
      %add3A_8 = arith.constant 0 : i32
      %add3A_9 = arith.addi %add3A_8, %mul3A_7 : i32
      %mul3A_10 = arith.constant 24 : i32
      %mul3A_11 = arith.muli %add3A, %mul3A_10 : i32
      %add3A_12 = arith.addi %mul3A_11, %add3A_9 : i32
      %mul3A_13 = arith.constant 128 : i32
      %mul3A_14 = arith.muli %add3A_12, %mul3A_13 : i32
      "tpu.region"() ({
        %run_scoped3A = tpu.sem_alloc : memref<!tpu.dma_semaphore, #tpu.memory_space<semaphore_mem>>
        %dma_start3A_19 = tpu.memref_slice %arg3[%mul3A_14] : memref<98304xi32, #tpu.memory_space<hbm>> -> memref<128xi32, #tpu.memory_space<hbm>>
        %dma_start3A_20 = tpu.memref_slice %arg3[%mul3A_14] : memref<98304xi32, #tpu.memory_space<hbm>> -> memref<128xi32, #tpu.memory_space<hbm>>
        tpu.enqueue_dma source(%dma_start3A_20 : memref<128xi32, #tpu.memory_space<hbm>>) target(%arg5 : memref<128xi32, #tpu.memory_space<vmem>>) target_semaphore(%run_scoped3A : memref<!tpu.dma_semaphore, #tpu.memory_space<semaphore_mem>>)
        %dma_wait3A_21 = tpu.memref_slice %arg3[%mul3A_14] : memref<98304xi32, #tpu.memory_space<hbm>> -> memref<128xi32, #tpu.memory_space<hbm>>
        %dma_wait3A_22 = tpu.memref_slice %arg3[%mul3A_14] : memref<98304xi32, #tpu.memory_space<hbm>> -> memref<128xi32, #tpu.memory_space<hbm>>
        tpu.wait_dma2 semaphore(%run_scoped3A : memref<!tpu.dma_semaphore, #tpu.memory_space<semaphore_mem>>) src(%dma_wait3A_22 : memref<128xi32, #tpu.memory_space<hbm>>) dst(%arg5 : memref<128xi32, #tpu.memory_space<vmem>>)
        tpu.yield
      }) : () -> ()
      %dma_start3A = arith.constant 0 : i32
      %dma_start3A_15 = arith.constant 0 : i32
      %dma_start3A_16 = tpu.memref_slice %arg2[%dma_start3A, %dma_start3A_15] : memref<98304x128xf32, #tpu.memory_space<hbm>> -> memref<98304x128xf32, #tpu.memory_space<hbm>>
      tpu.enqueue_indirect_dma source(%dma_start3A_16 : memref<98304x128xf32, #tpu.memory_space<hbm>>) target(%arg6 : memref<128x128xf32, #tpu.memory_space<vmem>>) offsets(%arg5 : memref<128xi32, #tpu.memory_space<vmem>>) semaphore(%arg7 : memref<!tpu.dma_semaphore, #tpu.memory_space<semaphore_mem>>)
      %dma_wait3A = arith.constant 0 : i32
      %dma_wait3A_17 = arith.constant 0 : i32
      %dma_wait3A_18 = tpu.memref_slice %arg2[%dma_wait3A, %dma_wait3A_17] : memref<98304x128xf32, #tpu.memory_space<hbm>> -> memref<98304x128xf32, #tpu.memory_space<hbm>>
      tpu.wait_indirect_dma semaphore(%arg7 : memref<!tpu.dma_semaphore, #tpu.memory_space<semaphore_mem>>) src(%dma_wait3A_18 : memref<98304x128xf32, #tpu.memory_space<hbm>>) dst(%arg6 : memref<128x128xf32, #tpu.memory_space<vmem>>)
      "tpu.region"() ({
        %run_scoped3A = tpu.sem_alloc : memref<!tpu.dma_semaphore, #tpu.memory_space<semaphore_mem>>
        %dma_start3A_19 = arith.constant 0 : i32
        %dma_start3A_20 = tpu.memref_slice %arg4[%mul3A_14, %dma_start3A_19] : memref<98304x128xf32, #tpu.memory_space<hbm>> -> memref<128x128xf32, #tpu.memory_space<hbm>>
        %dma_start3A_21 = arith.constant 0 : i32
        %dma_start3A_22 = tpu.memref_slice %arg4[%mul3A_14, %dma_start3A_21] : memref<98304x128xf32, #tpu.memory_space<hbm>> -> memref<128x128xf32, #tpu.memory_space<hbm>>
        tpu.enqueue_dma source(%arg6 : memref<128x128xf32, #tpu.memory_space<vmem>>) target(%dma_start3A_22 : memref<128x128xf32, #tpu.memory_space<hbm>>) target_semaphore(%run_scoped3A : memref<!tpu.dma_semaphore, #tpu.memory_space<semaphore_mem>>)
        %dma_wait3A_23 = arith.constant 0 : i32
        %dma_wait3A_24 = tpu.memref_slice %arg4[%mul3A_14, %dma_wait3A_23] : memref<98304x128xf32, #tpu.memory_space<hbm>> -> memref<128x128xf32, #tpu.memory_space<hbm>>
        %dma_wait3A_25 = arith.constant 0 : i32
        %dma_wait3A_26 = tpu.memref_slice %arg4[%mul3A_14, %dma_wait3A_25] : memref<98304x128xf32, #tpu.memory_space<hbm>> -> memref<128x128xf32, #tpu.memory_space<hbm>>
        tpu.wait_dma2 semaphore(%run_scoped3A : memref<!tpu.dma_semaphore, #tpu.memory_space<semaphore_mem>>) src(%arg6 : memref<128x128xf32, #tpu.memory_space<vmem>>) dst(%dma_wait3A_26 : memref<128x128xf32, #tpu.memory_space<hbm>>)
        tpu.yield
      }) : () -> ()
    }
    %scan3A_4 = arith.constant 24 : i32
    return
  }
}

#map = affine_map<(d0, d1) -> (0, 0)>
#map1 = affine_map<(d0, d1) -> (0)>
module attributes {stable_mosaic.version = 14 : i64} {
  func.func @_k(%arg0: i32, %arg1: i32, %arg2: memref<24576x128xf32, #tpu.memory_space<hbm>>, %arg3: memref<98304xi32, #tpu.memory_space<hbm>>, %arg4: memref<98304x128xf32, #tpu.memory_space<hbm>>, %arg5: memref<128xi32, #tpu.memory_space<vmem>>, %arg6: memref<128x128xf32, #tpu.memory_space<vmem>>) attributes {dimension_semantics = [#tpu.dimension_semantics<core_parallel>, #tpu.dimension_semantics<subcore_parallel>], iteration_bounds = array<i64: 2, 16>, scalar_prefetch = 0 : i64, scratch_operands = 2 : i64, tpu.core_type = #tpu.core_type<sc_vector_subcore>, window_params = [{transform_indices = #map}, {transform_indices = #map1}, {transform_indices = #map}]} {
    %mul3A = arith.constant 2 : i32
    %mul3A_0 = arith.muli %arg1, %mul3A : i32
    %add3A = arith.addi %mul3A_0, %arg0 : i32
    %scan3A = arith.constant 0 : i32
    %scan3A_1 = arith.constant 24 : i32
    %scan3A_2 = arith.addi %scan3A, %scan3A_1 : i32
    %scan3A_3 = arith.constant 1 : i32
    scf.for %scan3A_5 = %scan3A to %scan3A_2 step %scan3A_3  : i32 {
      %mul3A_6 = arith.constant 1 : i32
      %mul3A_7 = arith.muli %scan3A_5, %mul3A_6 : i32
      %add3A_8 = arith.constant 0 : i32
      %add3A_9 = arith.addi %add3A_8, %mul3A_7 : i32
      %mul3A_10 = arith.constant 24 : i32
      %mul3A_11 = arith.muli %add3A, %mul3A_10 : i32
      %add3A_12 = arith.addi %mul3A_11, %add3A_9 : i32
      %mul3A_13 = arith.constant 128 : i32
      %mul3A_14 = arith.muli %add3A_12, %mul3A_13 : i32
      %jit3A = arith.constant 16384 : i32
      %div3A = arith.divsi %mul3A_14, %jit3A : i32
      %sign3A = arith.constant 0 : i32
      %sign3A_15 = arith.cmpi sgt, %mul3A_14, %sign3A : i32
      %sign3A_16 = arith.extui %sign3A_15 : i1 to i32
      %sign3A_17 = arith.constant 0 : i32
      %sign3A_18 = arith.cmpi slt, %mul3A_14, %sign3A_17 : i32
      %sign3A_19 = arith.extui %sign3A_18 : i1 to i32
      %sign3A_20 = arith.subi %sign3A_16, %sign3A_19 : i32
      %sign3A_21 = arith.constant 0 : i32
      %sign3A_22 = arith.cmpi sgt, %jit3A, %sign3A_21 : i32
      %sign3A_23 = arith.extui %sign3A_22 : i1 to i32
      %sign3A_24 = arith.constant 0 : i32
      %sign3A_25 = arith.cmpi slt, %jit3A, %sign3A_24 : i32
      %sign3A_26 = arith.extui %sign3A_25 : i1 to i32
      %sign3A_27 = arith.subi %sign3A_23, %sign3A_26 : i32
      %ne3A = arith.cmpi ne, %sign3A_20, %sign3A_27 : i32
      %rem3A = arith.remsi %mul3A_14, %jit3A : i32
      %ne3A_28 = arith.constant 0 : i32
      %ne3A_29 = arith.cmpi ne, %rem3A, %ne3A_28 : i32
      %and3A = arith.andi %ne3A, %ne3A_29 : i1
      %sub3A = arith.constant 1 : i32
      %sub3A_30 = arith.subi %div3A, %sub3A : i32
      %select_n3A = arith.select %and3A, %sub3A_30, %div3A : i32
      %mul3A_31 = arith.constant 4096 : i32
      %mul3A_32 = arith.muli %select_n3A, %mul3A_31 : i32
      %jit3A_33 = arith.constant 4096 : i32
      %eq3A = arith.constant 0 : i32
      %eq3A_34 = arith.cmpi eq, %jit3A_33, %eq3A : i32
      %jit3A_35 = arith.constant 1 : i32
      %select_n3A_36 = arith.select %eq3A_34, %jit3A_35, %jit3A_33 : i32
      %rem3A_37 = arith.remsi %mul3A_14, %select_n3A_36 : i32
      %ne3A_38 = arith.constant 0 : i32
      %ne3A_39 = arith.cmpi ne, %rem3A_37, %ne3A_38 : i32
      %lt3A = arith.constant 0 : i32
      %lt3A_40 = arith.cmpi slt, %rem3A_37, %lt3A : i32
      %lt3A_41 = arith.constant 0 : i32
      %lt3A_42 = arith.cmpi slt, %select_n3A_36, %lt3A_41 : i32
      %ne3A_43 = arith.xori %lt3A_40, %lt3A_42 : i1
      %and3A_44 = arith.andi %ne3A_43, %ne3A_39 : i1
      %add3A_45 = arith.addi %rem3A_37, %select_n3A_36 : i32
      %select_n3A_46 = arith.select %and3A_44, %add3A_45, %rem3A_37 : i32
      %add3A_47 = arith.addi %mul3A_32, %select_n3A_46 : i32
      "tpu.region"() ({
        %run_scoped3A = tpu.sem_alloc : memref<!tpu.dma_semaphore, #tpu.memory_space<semaphore_mem>>
        %dma_start3A = tpu.memref_slice %arg3[%mul3A_14] : memref<98304xi32, #tpu.memory_space<hbm>> -> memref<128xi32, #tpu.memory_space<hbm>>
        %dma_start3A_48 = tpu.memref_slice %arg3[%mul3A_14] : memref<98304xi32, #tpu.memory_space<hbm>> -> memref<128xi32, #tpu.memory_space<hbm>>
        tpu.enqueue_dma source(%dma_start3A_48 : memref<128xi32, #tpu.memory_space<hbm>>) target(%arg5 : memref<128xi32, #tpu.memory_space<vmem>>) target_semaphore(%run_scoped3A : memref<!tpu.dma_semaphore, #tpu.memory_space<semaphore_mem>>)
        %dma_wait3A = tpu.memref_slice %arg3[%mul3A_14] : memref<98304xi32, #tpu.memory_space<hbm>> -> memref<128xi32, #tpu.memory_space<hbm>>
        %dma_wait3A_49 = tpu.memref_slice %arg3[%mul3A_14] : memref<98304xi32, #tpu.memory_space<hbm>> -> memref<128xi32, #tpu.memory_space<hbm>>
        tpu.wait_dma2 semaphore(%run_scoped3A : memref<!tpu.dma_semaphore, #tpu.memory_space<semaphore_mem>>) src(%dma_wait3A_49 : memref<128xi32, #tpu.memory_space<hbm>>) dst(%arg5 : memref<128xi32, #tpu.memory_space<vmem>>)
        tpu.yield
      }) : () -> ()
      "tpu.region"() ({
        %run_scoped3A = tpu.sem_alloc : memref<!tpu.dma_semaphore, #tpu.memory_space<semaphore_mem>>
        %dma_start3A = arith.constant 0 : i32
        %dma_start3A_48 = tpu.memref_slice %arg2[%add3A_47, %dma_start3A] : memref<24576x128xf32, #tpu.memory_space<hbm>> -> memref<128x128xf32, #tpu.memory_space<hbm>>
        %dma_start3A_49 = arith.constant 0 : i32
        %dma_start3A_50 = tpu.memref_slice %arg2[%add3A_47, %dma_start3A_49] : memref<24576x128xf32, #tpu.memory_space<hbm>> -> memref<128x128xf32, #tpu.memory_space<hbm>>
        tpu.enqueue_dma source(%dma_start3A_50 : memref<128x128xf32, #tpu.memory_space<hbm>>) target(%arg6 : memref<128x128xf32, #tpu.memory_space<vmem>>) target_semaphore(%run_scoped3A : memref<!tpu.dma_semaphore, #tpu.memory_space<semaphore_mem>>)
        %dma_wait3A = arith.constant 0 : i32
        %dma_wait3A_51 = tpu.memref_slice %arg2[%add3A_47, %dma_wait3A] : memref<24576x128xf32, #tpu.memory_space<hbm>> -> memref<128x128xf32, #tpu.memory_space<hbm>>
        %dma_wait3A_52 = arith.constant 0 : i32
        %dma_wait3A_53 = tpu.memref_slice %arg2[%add3A_47, %dma_wait3A_52] : memref<24576x128xf32, #tpu.memory_space<hbm>> -> memref<128x128xf32, #tpu.memory_space<hbm>>
        tpu.wait_dma2 semaphore(%run_scoped3A : memref<!tpu.dma_semaphore, #tpu.memory_space<semaphore_mem>>) src(%dma_wait3A_53 : memref<128x128xf32, #tpu.memory_space<hbm>>) dst(%arg6 : memref<128x128xf32, #tpu.memory_space<vmem>>)
        tpu.yield
      }) : () -> ()
      "tpu.region"() ({
        %run_scoped3A = tpu.sem_alloc : memref<!tpu.dma_semaphore, #tpu.memory_space<semaphore_mem>>
        %dma_start3A = arith.constant 0 : i32
        %dma_start3A_48 = arith.constant 0 : i32
        %dma_start3A_49 = tpu.memref_slice %arg4[%dma_start3A, %dma_start3A_48] : memref<98304x128xf32, #tpu.memory_space<hbm>> -> memref<98304x128xf32, #tpu.memory_space<hbm>>
        tpu.enqueue_indirect_dma source(%arg6 : memref<128x128xf32, #tpu.memory_space<vmem>>) target(%dma_start3A_49 : memref<98304x128xf32, #tpu.memory_space<hbm>>) offsets(%arg5 : memref<128xi32, #tpu.memory_space<vmem>>) semaphore(%run_scoped3A : memref<!tpu.dma_semaphore, #tpu.memory_space<semaphore_mem>>)
        %dma_wait3A = arith.constant 0 : i32
        %dma_wait3A_50 = arith.constant 0 : i32
        %dma_wait3A_51 = tpu.memref_slice %arg4[%dma_wait3A, %dma_wait3A_50] : memref<98304x128xf32, #tpu.memory_space<hbm>> -> memref<98304x128xf32, #tpu.memory_space<hbm>>
        tpu.wait_indirect_dma semaphore(%run_scoped3A : memref<!tpu.dma_semaphore, #tpu.memory_space<semaphore_mem>>) src(%arg6 : memref<128x128xf32, #tpu.memory_space<vmem>>) dst(%dma_wait3A_51 : memref<98304x128xf32, #tpu.memory_space<hbm>>)
        tpu.yield
      }) : () -> ()
    }
    %scan3A_4 = arith.constant 24 : i32
    return
  }
}

module attributes {stable_mosaic.version = 14 : i64} {
  func.func @_proj_hash_body(%arg0: i32, %arg1: memref<4096x768xf32, #tpu.memory_space<vmem>>, %arg2: memref<1x768x64xf32, #tpu.memory_space<vmem>>, %arg3: memref<1x768x64xf32, #tpu.memory_space<vmem>>, %arg4: memref<64x256xf32, #tpu.memory_space<vmem>>, %arg5: memref<64x64xf32, #tpu.memory_space<vmem>>, %arg6: memref<64x64xf32, #tpu.memory_space<vmem>>, %arg7: memref<64x4096xf32, #tpu.memory_space<vmem>>, %arg8: memref<4096x64xf32, #tpu.memory_space<vmem>>, %arg9: memref<64x64xf32, #tpu.memory_space<vmem>>, %arg10: memref<1x4096x128xf32, #tpu.memory_space<vmem>>, %arg11: memref<1x16x1024xi32, #tpu.memory_space<vmem>>, %arg12: memref<1x8x64xf32, #tpu.memory_space<vmem>>) attributes {dimension_semantics = [#tpu.dimension_semantics<arbitrary>], iteration_bounds = array<i64: 6>, scalar_prefetch = 0 : i64, scratch_operands = 0 : i64, tpu.core_type = #tpu.core_type<tc>, window_params = [{pipeline_mode = #tpu.pipeline_mode<synchronous>, transform_indices = @transform_0, window_bounds = array<i64: 4096, 768>}, {transform_indices = @transform_1, window_bounds = array<i64: 1, 768, 64>}, {transform_indices = @transform_2, window_bounds = array<i64: 1, 768, 64>}, {pipeline_mode = #tpu.pipeline_mode<synchronous>, transform_indices = @transform_3, window_bounds = array<i64: 64, 256>}, {pipeline_mode = #tpu.pipeline_mode<synchronous>, transform_indices = @transform_4, window_bounds = array<i64: 64, 64>}, {pipeline_mode = #tpu.pipeline_mode<synchronous>, transform_indices = @transform_5, window_bounds = array<i64: 64, 64>}, {pipeline_mode = #tpu.pipeline_mode<synchronous>, transform_indices = @transform_6, window_bounds = array<i64: 64, 4096>}, {pipeline_mode = #tpu.pipeline_mode<synchronous>, transform_indices = @transform_7, window_bounds = array<i64: 4096, 64>}, {pipeline_mode = #tpu.pipeline_mode<synchronous>, transform_indices = @transform_8, window_bounds = array<i64: 64, 64>}, {transform_indices = @transform_9, window_bounds = array<i64: 1, 4096, 128>}, {transform_indices = @transform_10, window_bounds = array<i64: 1, 16, 1024>}, {transform_indices = @transform_11, window_bounds = array<i64: 1, 8, 64>}]} {
    %get3A = arith.constant 0 : index
    %get3A_0 = arith.constant 0 : index
    %get3A_1 = vector.load %arg1[%get3A, %get3A_0] : memref<4096x768xf32, #tpu.memory_space<vmem>>, vector<4096x768xf32>
    %get3A_2 = arith.constant 0 : index
    %get3A_3 = arith.constant 0 : index
    %get3A_4 = arith.constant 0 : index
    %get3A_5 = vector.load %arg2[%get3A_2, %get3A_3, %get3A_4] : memref<1x768x64xf32, #tpu.memory_space<vmem>>, vector<1x768x64xf32>
    %get3A_6 = vector.shape_cast %get3A_5 : vector<1x768x64xf32> to vector<768x64xf32>
    %dot_general3A = arith.constant dense<0.000000e+00> : vector<4096x64xf32>
    %dot_general3A_7 = tpu.matmul %get3A_1, %get3A_6, %dot_general3A {dimension_numbers = #tpu.dot_dimension_numbers<[1], [0], [0], [1], [0, 0, 1, 1], [], []>, transpose_lhs_hint = false} : vector<4096x768xf32>, vector<768x64xf32>, vector<4096x64xf32> -> vector<4096x64xf32>
    %get3A_8 = arith.constant 0 : index
    %get3A_9 = arith.constant 0 : index
    %get3A_10 = arith.constant 0 : index
    %get3A_11 = vector.load %arg3[%get3A_8, %get3A_9, %get3A_10] : memref<1x768x64xf32, #tpu.memory_space<vmem>>, vector<1x768x64xf32>
    %get3A_12 = vector.shape_cast %get3A_11 : vector<1x768x64xf32> to vector<768x64xf32>
    %dot_general3A_13 = arith.constant dense<0.000000e+00> : vector<4096x64xf32>
    %dot_general3A_14 = tpu.matmul %get3A_1, %get3A_12, %dot_general3A_13 {dimension_numbers = #tpu.dot_dimension_numbers<[1], [0], [0], [1], [0, 0, 1, 1], [], []>, transpose_lhs_hint = false} : vector<4096x768xf32>, vector<768x64xf32>, vector<4096x64xf32> -> vector<4096x64xf32>
    %swap3A = arith.constant 0 : index
    %swap3A_15 = arith.constant 0 : index
    %swap3A_16 = arith.constant 0 : index
    %swap3A_17 = vector.load %arg10[%swap3A, %swap3A_15, %swap3A_16] : memref<1x4096x128xf32, #tpu.memory_space<vmem>>, vector<1x4096x64xf32>
    %swap3A_18 = vector.shape_cast %swap3A_17 : vector<1x4096x64xf32> to vector<4096x64xf32>
    %swap3A_19 = vector.shape_cast %dot_general3A_7 : vector<4096x64xf32> to vector<1x4096x64xf32>
    tpu.vector_store %arg10[%swap3A, %swap3A_15, %swap3A_16], %swap3A_19 {strides = array<i32>} : memref<1x4096x128xf32, #tpu.memory_space<vmem>>, vector<1x4096x64xf32>,
    %swap3A_20 = arith.constant 0 : index
    %swap3A_21 = arith.constant 0 : index
    %swap3A_22 = arith.constant 64 : index
    %swap3A_23 = vector.load %arg10[%swap3A_20, %swap3A_21, %swap3A_22] : memref<1x4096x128xf32, #tpu.memory_space<vmem>>, vector<1x4096x64xf32>
    %swap3A_24 = vector.shape_cast %swap3A_23 : vector<1x4096x64xf32> to vector<4096x64xf32>
    %swap3A_25 = vector.shape_cast %dot_general3A_14 : vector<4096x64xf32> to vector<1x4096x64xf32>
    tpu.vector_store %arg10[%swap3A_20, %swap3A_21, %swap3A_22], %swap3A_25 {strides = array<i32>} : memref<1x4096x128xf32, #tpu.memory_space<vmem>>, vector<1x4096x64xf32>,
    %get3A_26 = arith.constant 0 : index
    %get3A_27 = arith.constant 0 : index
    %get3A_28 = vector.load %arg4[%get3A_26, %get3A_27] : memref<64x256xf32, #tpu.memory_space<vmem>>, vector<64x256xf32>
    %dot_general3A_29 = arith.constant dense<0.000000e+00> : vector<4096x256xf32>
    %dot_general3A_30 = tpu.matmul %dot_general3A_7, %get3A_28, %dot_general3A_29 {dimension_numbers = #tpu.dot_dimension_numbers<[1], [0], [0], [1], [0, 0, 1, 1], [], []>, transpose_lhs_hint = false} : vector<4096x64xf32>, vector<64x256xf32>, vector<4096x256xf32> -> vector<4096x256xf32>
    %get3A_31 = arith.constant 0 : index
    %get3A_32 = arith.constant 0 : index
    %get3A_33 = vector.load %arg5[%get3A_31, %get3A_32] : memref<64x64xf32, #tpu.memory_space<vmem>>, vector<64x64xf32>
    %get3A_34 = arith.constant 0 : index
    %get3A_35 = arith.constant 0 : index
    %get3A_36 = vector.load %arg6[%get3A_34, %get3A_35] : memref<64x64xf32, #tpu.memory_space<vmem>>, vector<64x64xf32>
    %get3A_37 = arith.constant 0 : index
    %get3A_38 = arith.constant 0 : index
    %get3A_39 = vector.load %arg9[%get3A_37, %get3A_38] : memref<64x64xf32, #tpu.memory_space<vmem>>, vector<64x64xf32>
    %get3A_40 = arith.constant 0 : index
    %get3A_41 = arith.constant 0 : index
    %get3A_42 = vector.load %arg7[%get3A_40, %get3A_41] : memref<64x4096xf32, #tpu.memory_space<vmem>>, vector<64x4096xf32>
    %get3A_43 = arith.constant 0 : index
    %get3A_44 = arith.constant 0 : index
    %get3A_45 = vector.load %arg8[%get3A_43, %get3A_44] : memref<4096x64xf32, #tpu.memory_space<vmem>>, vector<4096x64xf32>
    %iota3A = tpu.iota {dimensions = array<i32: 1>} : vector<4096x64xi32>
    %iota3A_46 = tpu.iota {dimensions = array<i32: 1>} : vector<1x4096xi32>
    %convert_element_type3A = arith.sitofp %iota3A_46 : vector<1x4096xi32> to vector<1x4096xf32>
    %slice3A = vector.extract_strided_slice %dot_general3A_30 {offsets = [0, 0], sizes = [4096, 64], strides = [1, 1]} : vector<4096x256xf32> to vector<4096x64xf32>
    %reduce_max3A = arith.constant dense<0xFF800000> : vector<4096xf32>
    %reduce_max3A_47 = vector.multi_reduction <maximumf>, %slice3A, %reduce_max3A [1] : vector<4096x64xf32> to vector<4096xf32>
    %broadcast_in_dim3A = vector.shape_cast %reduce_max3A_47 : vector<4096xf32> to vector<4096x1xf32>
    %eq3A = vector.broadcast %broadcast_in_dim3A : vector<4096x1xf32> to vector<4096x64xf32>
    %eq3A_48 = arith.cmpf oeq, %slice3A, %eq3A : vector<4096x64xf32>
    %jit3A = arith.constant 64 : i32
    %broadcast_in_dim3A_49 = vector.broadcast %jit3A : i32 to vector<4096x64xi32>
    %select_n3A = arith.select %eq3A_48, %iota3A, %broadcast_in_dim3A_49 : vector<4096x64xi1>, vector<4096x64xi32>
    %reduce_min3A = arith.constant dense<2147483647> : vector<4096xi32>
    %reduce_min3A_50 = vector.multi_reduction <minsi>, %select_n3A, %reduce_min3A [1] : vector<4096x64xi32> to vector<4096xi32>
    %broadcast_in_dim3A_51 = vector.shape_cast %reduce_min3A_50 : vector<4096xi32> to vector<4096x1xi32>
    %eq3A_52 = vector.broadcast %broadcast_in_dim3A_51 : vector<4096x1xi32> to vector<4096x64xi32>
    %eq3A_53 = arith.cmpi eq, %iota3A, %eq3A_52 : vector<4096x64xi32>
    %convert_element_type3A_54 = arith.extui %eq3A_53 : vector<4096x64xi1> to vector<4096x64xi32>
    %convert_element_type3A_55 = arith.sitofp %convert_element_type3A_54 : vector<4096x64xi32> to vector<4096x64xf32>
    %reshape3A = vector.shape_cast %convert_element_type3A_55 : vector<4096x64xf32> to vector<64x64x64xf32>
    "tpu.trace_start"() <{level = 10 : i32, message = "ij,bjk->bik"}> : () -> ()
    %dot_general3A_56 = arith.constant dense<0.000000e+00> : vector<64x64x64xf32>
    %dot_general3A_57 = tpu.matmul %reshape3A, %get3A_33, %dot_general3A_56 {dimension_numbers = #tpu.dot_dimension_numbers<[1], [1], [0, 2], [0], [0, 0, 0, 2, 1, 0], [], []>, transpose_lhs_hint = false} : vector<64x64x64xf32>, vector<64x64xf32>, vector<64x64x64xf32> -> vector<64x64x64xf32>
    %transpose3A = tpu.transpose %dot_general3A_57, [0, 2, 1] : vector<64x64x64xf32> -> vector<64x64x64xf32>
    "tpu.trace_stop"() : () -> ()
    %reshape3A_58 = vector.shape_cast %transpose3A : vector<64x64x64xf32> to vector<4096x64xf32>
    %dot_general3A_59 = arith.constant dense<0.000000e+00> : vector<64x64xf32>
    %dot_general3A_60 = tpu.matmul %get3A_42, %convert_element_type3A_55, %dot_general3A_59 {dimension_numbers = #tpu.dot_dimension_numbers<[1], [0], [0], [1], [0, 0, 1, 1], [], []>, transpose_lhs_hint = false} : vector<64x4096xf32>, vector<4096x64xf32>, vector<64x64xf32> -> vector<64x64xf32>
    %dot_general3A_61 = arith.constant dense<0.000000e+00> : vector<64x64xf32>
    %dot_general3A_62 = tpu.matmul %get3A_36, %dot_general3A_60, %dot_general3A_61 {dimension_numbers = #tpu.dot_dimension_numbers<[1], [0], [0], [1], [0, 0, 1, 1], [], []>, transpose_lhs_hint = false} : vector<64x64xf32>, vector<64x64xf32>, vector<64x64xf32> -> vector<64x64xf32>
    %dot_general3A_63 = arith.constant dense<0.000000e+00> : vector<4096x64xf32>
    %dot_general3A_64 = tpu.matmul %get3A_45, %dot_general3A_62, %dot_general3A_63 {dimension_numbers = #tpu.dot_dimension_numbers<[1], [0], [0], [1], [0, 0, 1, 1], [], []>, transpose_lhs_hint = false} : vector<4096x64xf32>, vector<64x64xf32>, vector<4096x64xf32> -> vector<4096x64xf32>
    %reduce_sum3A = arith.constant dense<0.000000e+00> : vector<64xf32>
    %reduce_sum3A_65 = vector.multi_reduction <add>, %dot_general3A_60, %reduce_sum3A [0] : vector<64x64xf32> to vector<64xf32>
    %broadcast_in_dim3A_66 = vector.shape_cast %reduce_sum3A_65 : vector<64xf32> to vector<1x64xf32>
    %dot_general3A_67 = arith.constant dense<0.000000e+00> : vector<1x64xf32>
    %dot_general3A_68 = tpu.matmul %broadcast_in_dim3A_66, %get3A_39, %dot_general3A_67 {dimension_numbers = #tpu.dot_dimension_numbers<[1], [0], [0], [1], [0, 0, 1, 1], [], []>, transpose_lhs_hint = false} : vector<1x64xf32>, vector<64x64xf32>, vector<1x64xf32> -> vector<1x64xf32>
    %sub3A = arith.constant 1.000000e+00 : f32
    %sub3A_69 = vector.broadcast %sub3A : f32 to vector<4096x64xf32>
    %sub3A_70 = arith.subf %reshape3A_58, %sub3A_69 : vector<4096x64xf32>
    %add3A = arith.addf %sub3A_70, %dot_general3A_64 : vector<4096x64xf32>
    %add3A_71 = vector.broadcast %dot_general3A_68 : vector<1x64xf32> to vector<4096x64xf32>
    %add3A_72 = arith.addf %add3A, %add3A_71 : vector<4096x64xf32>
    %mul3A = arith.mulf %convert_element_type3A_55, %add3A_72 : vector<4096x64xf32>
    %reshape3A_73 = vector.shape_cast %mul3A : vector<4096x64xf32> to vector<64x64x64xf32>
    %reduce_sum3A_74 = arith.constant dense<0.000000e+00> : vector<64x64xf32>
    %reduce_sum3A_75 = vector.multi_reduction <add>, %reshape3A_73, %reduce_sum3A_74 [2] : vector<64x64x64xf32> to vector<64x64xf32>
    %mul3A_76 = arith.constant 4 : i32
    %mul3A_77 = arith.muli %arg0, %mul3A_76 : i32
    %add3A_78 = arith.constant 0 : i32
    %add3A_79 = arith.addi %mul3A_77, %add3A_78 : i32
    %mul3A_80 = arith.constant 4096 : i32
    %mul3A_81 = arith.muli %add3A_79, %mul3A_80 : i32
    %convert_element_type3A_82 = arith.fptosi %reduce_sum3A_75 : vector<64x64xf32> to vector<64x64xi32>
    %add3A_83 = vector.broadcast %mul3A_81 : i32 to vector<64x64xi32>
    %add3A_84 = arith.addi %convert_element_type3A_82, %add3A_83 : vector<64x64xi32>
    %reshape3A_85 = vector.shape_cast %add3A_84 : vector<64x64xi32> to vector<4x1024xi32>
    %swap3A_86 = arith.constant 0 : index
    %swap3A_87 = arith.constant 0 : index
    %swap3A_88 = arith.constant 0 : index
    %swap3A_89 = vector.load %arg11[%swap3A_86, %swap3A_87, %swap3A_88] : memref<1x16x1024xi32, #tpu.memory_space<vmem>>, vector<1x4x1024xi32>
    %swap3A_90 = vector.shape_cast %swap3A_89 : vector<1x4x1024xi32> to vector<4x1024xi32>
    %swap3A_91 = vector.shape_cast %reshape3A_85 : vector<4x1024xi32> to vector<1x4x1024xi32>
    tpu.vector_store %arg11[%swap3A_86, %swap3A_87, %swap3A_88], %swap3A_91 {strides = array<i32>} : memref<1x16x1024xi32, #tpu.memory_space<vmem>>, vector<1x4x1024xi32>,
    %reshape3A_92 = vector.shape_cast %reduce_sum3A_75 : vector<64x64xf32> to vector<4096x1xf32>
    %iota3A_93 = tpu.iota {dimensions = array<i32: 1>} : vector<4096x128xi32>
    %lt3A = arith.constant 64 : i32
    %lt3A_94 = vector.broadcast %lt3A : i32 to vector<4096x128xi32>
    %lt3A_95 = arith.cmpi slt, %iota3A_93, %lt3A_94 : vector<4096x128xi32>
    %add3A_96 = arith.constant 3968 : i32
    %add3A_97 = vector.broadcast %add3A_96 : i32 to vector<4096x128xi32>
    %add3A_98 = arith.addi %iota3A_93, %add3A_97 : vector<4096x128xi32>
    %select_n3A_99 = arith.select %lt3A_95, %iota3A_93, %add3A_98 : vector<4096x128xi1>, vector<4096x128xi32>
    %convert_element_type3A_100 = arith.fptosi %reshape3A_92 : vector<4096x1xf32> to vector<4096x1xi32>
    %eq3A_101 = vector.broadcast %convert_element_type3A_100 : vector<4096x1xi32> to vector<4096x128xi32>
    %eq3A_102 = arith.cmpi eq, %eq3A_101, %select_n3A_99 : vector<4096x128xi32>
    %convert_element_type3A_103 = arith.extui %eq3A_102 : vector<4096x128xi1> to vector<4096x128xi32>
    %convert_element_type3A_104 = arith.sitofp %convert_element_type3A_103 : vector<4096x128xi32> to vector<4096x128xf32>
    %dot_general3A_105 = arith.constant dense<0.000000e+00> : vector<1x128xf32>
    %dot_general3A_106 = tpu.matmul %convert_element_type3A, %convert_element_type3A_104, %dot_general3A_105 {dimension_numbers = #tpu.dot_dimension_numbers<[1], [0], [0], [1], [0, 0, 1, 1], [], []>, transpose_lhs_hint = false} : vector<1x4096xf32>, vector<4096x128xf32>, vector<1x128xf32> -> vector<1x128xf32>
    %slice3A_107 = vector.extract_strided_slice %dot_general3A_106 {offsets = [0, 0], sizes = [1, 64], strides = [1, 1]} : vector<1x128xf32> to vector<1x64xf32>
    %swap3A_108 = arith.constant 0 : index
    %swap3A_109 = arith.constant 0 : index
    %swap3A_110 = arith.constant 0 : index
    %swap3A_111 = vector.load %arg12[%swap3A_108, %swap3A_109, %swap3A_110] : memref<1x8x64xf32, #tpu.memory_space<vmem>>, vector<1x1x64xf32>
    %swap3A_112 = vector.shape_cast %swap3A_111 : vector<1x1x64xf32> to vector<1x64xf32>
    %swap3A_113 = vector.shape_cast %slice3A_107 : vector<1x64xf32> to vector<1x1x64xf32>
    tpu.vector_store %arg12[%swap3A_108, %swap3A_109, %swap3A_110], %swap3A_113 {strides = array<i32>} : memref<1x8x64xf32, #tpu.memory_space<vmem>>, vector<1x1x64xf32>,
    %slice3A_114 = vector.extract_strided_slice %dot_general3A_106 {offsets = [0, 64], sizes = [1, 64], strides = [1, 1]} : vector<1x128xf32> to vector<1x64xf32>
    %swap3A_115 = arith.constant 0 : index
    %swap3A_116 = arith.constant 1 : index
    %swap3A_117 = arith.constant 0 : index
    %swap3A_118 = vector.load %arg12[%swap3A_115, %swap3A_116, %swap3A_117] : memref<1x8x64xf32, #tpu.memory_space<vmem>>, vector<1x1x64xf32>
    %swap3A_119 = vector.shape_cast %swap3A_118 : vector<1x1x64xf32> to vector<1x64xf32>
    %swap3A_120 = vector.shape_cast %slice3A_114 : vector<1x64xf32> to vector<1x1x64xf32>
    tpu.vector_store %arg12[%swap3A_115, %swap3A_116, %swap3A_117], %swap3A_120 {strides = array<i32>} : memref<1x8x64xf32, #tpu.memory_space<vmem>>, vector<1x1x64xf32>,
    %slice3A_121 = vector.extract_strided_slice %dot_general3A_30 {offsets = [0, 64], sizes = [4096, 64], strides = [1, 1]} : vector<4096x256xf32> to vector<4096x64xf32>
    %reduce_max3A_122 = arith.constant dense<0xFF800000> : vector<4096xf32>
    %reduce_max3A_123 = vector.multi_reduction <maximumf>, %slice3A_121, %reduce_max3A_122 [1] : vector<4096x64xf32> to vector<4096xf32>
    %broadcast_in_dim3A_124 = vector.shape_cast %reduce_max3A_123 : vector<4096xf32> to vector<4096x1xf32>
    %eq3A_125 = vector.broadcast %broadcast_in_dim3A_124 : vector<4096x1xf32> to vector<4096x64xf32>
    %eq3A_126 = arith.cmpf oeq, %slice3A_121, %eq3A_125 : vector<4096x64xf32>
    %jit3A_127 = arith.constant 64 : i32
    %broadcast_in_dim3A_128 = vector.broadcast %jit3A_127 : i32 to vector<4096x64xi32>
    %select_n3A_129 = arith.select %eq3A_126, %iota3A, %broadcast_in_dim3A_128 : vector<4096x64xi1>, vector<4096x64xi32>
    %reduce_min3A_130 = arith.constant dense<2147483647> : vector<4096xi32>
    %reduce_min3A_131 = vector.multi_reduction <minsi>, %select_n3A_129, %reduce_min3A_130 [1] : vector<4096x64xi32> to vector<4096xi32>
    %broadcast_in_dim3A_132 = vector.shape_cast %reduce_min3A_131 : vector<4096xi32> to vector<4096x1xi32>
    %eq3A_133 = vector.broadcast %broadcast_in_dim3A_132 : vector<4096x1xi32> to vector<4096x64xi32>
    %eq3A_134 = arith.cmpi eq, %iota3A, %eq3A_133 : vector<4096x64xi32>
    %convert_element_type3A_135 = arith.extui %eq3A_134 : vector<4096x64xi1> to vector<4096x64xi32>
    %convert_element_type3A_136 = arith.sitofp %convert_element_type3A_135 : vector<4096x64xi32> to vector<4096x64xf32>
    %reshape3A_137 = vector.shape_cast %convert_element_type3A_136 : vector<4096x64xf32> to vector<64x64x64xf32>
    "tpu.trace_start"() <{level = 10 : i32, message = "ij,bjk->bik"}> : () -> ()
    %dot_general3A_138 = arith.constant dense<0.000000e+00> : vector<64x64x64xf32>
    %dot_general3A_139 = tpu.matmul %reshape3A_137, %get3A_33, %dot_general3A_138 {dimension_numbers = #tpu.dot_dimension_numbers<[1], [1], [0, 2], [0], [0, 0, 0, 2, 1, 0], [], []>, transpose_lhs_hint = false} : vector<64x64x64xf32>, vector<64x64xf32>, vector<64x64x64xf32> -> vector<64x64x64xf32>
    %transpose3A_140 = tpu.transpose %dot_general3A_139, [0, 2, 1] : vector<64x64x64xf32> -> vector<64x64x64xf32>
    "tpu.trace_stop"() : () -> ()
    %reshape3A_141 = vector.shape_cast %transpose3A_140 : vector<64x64x64xf32> to vector<4096x64xf32>
    %dot_general3A_142 = arith.constant dense<0.000000e+00> : vector<64x64xf32>
    %dot_general3A_143 = tpu.matmul %get3A_42, %convert_element_type3A_136, %dot_general3A_142 {dimension_numbers = #tpu.dot_dimension_numbers<[1], [0], [0], [1], [0, 0, 1, 1], [], []>, transpose_lhs_hint = false} : vector<64x4096xf32>, vector<4096x64xf32>, vector<64x64xf32> -> vector<64x64xf32>
    %dot_general3A_144 = arith.constant dense<0.000000e+00> : vector<64x64xf32>
    %dot_general3A_145 = tpu.matmul %get3A_36, %dot_general3A_143, %dot_general3A_144 {dimension_numbers = #tpu.dot_dimension_numbers<[1], [0], [0], [1], [0, 0, 1, 1], [], []>, transpose_lhs_hint = false} : vector<64x64xf32>, vector<64x64xf32>, vector<64x64xf32> -> vector<64x64xf32>
    %dot_general3A_146 = arith.constant dense<0.000000e+00> : vector<4096x64xf32>
    %dot_general3A_147 = tpu.matmul %get3A_45, %dot_general3A_145, %dot_general3A_146 {dimension_numbers = #tpu.dot_dimension_numbers<[1], [0], [0], [1], [0, 0, 1, 1], [], []>, transpose_lhs_hint = false} : vector<4096x64xf32>, vector<64x64xf32>, vector<4096x64xf32> -> vector<4096x64xf32>
    %reduce_sum3A_148 = arith.constant dense<0.000000e+00> : vector<64xf32>
    %reduce_sum3A_149 = vector.multi_reduction <add>, %dot_general3A_143, %reduce_sum3A_148 [0] : vector<64x64xf32> to vector<64xf32>
    %broadcast_in_dim3A_150 = vector.shape_cast %reduce_sum3A_149 : vector<64xf32> to vector<1x64xf32>
    %dot_general3A_151 = arith.constant dense<0.000000e+00> : vector<1x64xf32>
    %dot_general3A_152 = tpu.matmul %broadcast_in_dim3A_150, %get3A_39, %dot_general3A_151 {dimension_numbers = #tpu.dot_dimension_numbers<[1], [0], [0], [1], [0, 0, 1, 1], [], []>, transpose_lhs_hint = false} : vector<1x64xf32>, vector<64x64xf32>, vector<1x64xf32> -> vector<1x64xf32>
    %sub3A_153 = arith.constant 1.000000e+00 : f32
    %sub3A_154 = vector.broadcast %sub3A_153 : f32 to vector<4096x64xf32>
    %sub3A_155 = arith.subf %reshape3A_141, %sub3A_154 : vector<4096x64xf32>
    %add3A_156 = arith.addf %sub3A_155, %dot_general3A_147 : vector<4096x64xf32>
    %add3A_157 = vector.broadcast %dot_general3A_152 : vector<1x64xf32> to vector<4096x64xf32>
    %add3A_158 = arith.addf %add3A_156, %add3A_157 : vector<4096x64xf32>
    %mul3A_159 = arith.mulf %convert_element_type3A_136, %add3A_158 : vector<4096x64xf32>
    %reshape3A_160 = vector.shape_cast %mul3A_159 : vector<4096x64xf32> to vector<64x64x64xf32>
    %reduce_sum3A_161 = arith.constant dense<0.000000e+00> : vector<64x64xf32>
    %reduce_sum3A_162 = vector.multi_reduction <add>, %reshape3A_160, %reduce_sum3A_161 [2] : vector<64x64x64xf32> to vector<64x64xf32>
    %mul3A_163 = arith.constant 4 : i32
    %mul3A_164 = arith.muli %arg0, %mul3A_163 : i32
    %add3A_165 = arith.constant 1 : i32
    %add3A_166 = arith.addi %mul3A_164, %add3A_165 : i32
    %mul3A_167 = arith.constant 4096 : i32
    %mul3A_168 = arith.muli %add3A_166, %mul3A_167 : i32
    %convert_element_type3A_169 = arith.fptosi %reduce_sum3A_162 : vector<64x64xf32> to vector<64x64xi32>
    %add3A_170 = vector.broadcast %mul3A_168 : i32 to vector<64x64xi32>
    %add3A_171 = arith.addi %convert_element_type3A_169, %add3A_170 : vector<64x64xi32>
    %reshape3A_172 = vector.shape_cast %add3A_171 : vector<64x64xi32> to vector<4x1024xi32>
    %swap3A_173 = arith.constant 0 : index
    %swap3A_174 = arith.constant 4 : index
    %swap3A_175 = arith.constant 0 : index
    %swap3A_176 = vector.load %arg11[%swap3A_173, %swap3A_174, %swap3A_175] : memref<1x16x1024xi32, #tpu.memory_space<vmem>>, vector<1x4x1024xi32>
    %swap3A_177 = vector.shape_cast %swap3A_176 : vector<1x4x1024xi32> to vector<4x1024xi32>
    %swap3A_178 = vector.shape_cast %reshape3A_172 : vector<4x1024xi32> to vector<1x4x1024xi32>
    tpu.vector_store %arg11[%swap3A_173, %swap3A_174, %swap3A_175], %swap3A_178 {strides = array<i32>} : memref<1x16x1024xi32, #tpu.memory_space<vmem>>, vector<1x4x1024xi32>,
    %reshape3A_179 = vector.shape_cast %reduce_sum3A_162 : vector<64x64xf32> to vector<4096x1xf32>
    %iota3A_180 = tpu.iota {dimensions = array<i32: 1>} : vector<4096x128xi32>
    %lt3A_181 = arith.constant 64 : i32
    %lt3A_182 = vector.broadcast %lt3A_181 : i32 to vector<4096x128xi32>
    %lt3A_183 = arith.cmpi slt, %iota3A_180, %lt3A_182 : vector<4096x128xi32>
    %add3A_184 = arith.constant 3968 : i32
    %add3A_185 = vector.broadcast %add3A_184 : i32 to vector<4096x128xi32>
    %add3A_186 = arith.addi %iota3A_180, %add3A_185 : vector<4096x128xi32>
    %select_n3A_187 = arith.select %lt3A_183, %iota3A_180, %add3A_186 : vector<4096x128xi1>, vector<4096x128xi32>
    %convert_element_type3A_188 = arith.fptosi %reshape3A_179 : vector<4096x1xf32> to vector<4096x1xi32>
    %eq3A_189 = vector.broadcast %convert_element_type3A_188 : vector<4096x1xi32> to vector<4096x128xi32>
    %eq3A_190 = arith.cmpi eq, %eq3A_189, %select_n3A_187 : vector<4096x128xi32>
    %convert_element_type3A_191 = arith.extui %eq3A_190 : vector<4096x128xi1> to vector<4096x128xi32>
    %convert_element_type3A_192 = arith.sitofp %convert_element_type3A_191 : vector<4096x128xi32> to vector<4096x128xf32>
    %dot_general3A_193 = arith.constant dense<0.000000e+00> : vector<1x128xf32>
    %dot_general3A_194 = tpu.matmul %convert_element_type3A, %convert_element_type3A_192, %dot_general3A_193 {dimension_numbers = #tpu.dot_dimension_numbers<[1], [0], [0], [1], [0, 0, 1, 1], [], []>, transpose_lhs_hint = false} : vector<1x4096xf32>, vector<4096x128xf32>, vector<1x128xf32> -> vector<1x128xf32>
    %slice3A_195 = vector.extract_strided_slice %dot_general3A_194 {offsets = [0, 0], sizes = [1, 64], strides = [1, 1]} : vector<1x128xf32> to vector<1x64xf32>
    %swap3A_196 = arith.constant 0 : index
    %swap3A_197 = arith.constant 2 : index
    %swap3A_198 = arith.constant 0 : index
    %swap3A_199 = vector.load %arg12[%swap3A_196, %swap3A_197, %swap3A_198] : memref<1x8x64xf32, #tpu.memory_space<vmem>>, vector<1x1x64xf32>
    %swap3A_200 = vector.shape_cast %swap3A_199 : vector<1x1x64xf32> to vector<1x64xf32>
    %swap3A_201 = vector.shape_cast %slice3A_195 : vector<1x64xf32> to vector<1x1x64xf32>
    tpu.vector_store %arg12[%swap3A_196, %swap3A_197, %swap3A_198], %swap3A_201 {strides = array<i32>} : memref<1x8x64xf32, #tpu.memory_space<vmem>>, vector<1x1x64xf32>,
    %slice3A_202 = vector.extract_strided_slice %dot_general3A_194 {offsets = [0, 64], sizes = [1, 64], strides = [1, 1]} : vector<1x128xf32> to vector<1x64xf32>
    %swap3A_203 = arith.constant 0 : index
    %swap3A_204 = arith.constant 3 : index
    %swap3A_205 = arith.constant 0 : index
    %swap3A_206 = vector.load %arg12[%swap3A_203, %swap3A_204, %swap3A_205] : memref<1x8x64xf32, #tpu.memory_space<vmem>>, vector<1x1x64xf32>
    %swap3A_207 = vector.shape_cast %swap3A_206 : vector<1x1x64xf32> to vector<1x64xf32>
    %swap3A_208 = vector.shape_cast %slice3A_202 : vector<1x64xf32> to vector<1x1x64xf32>
    tpu.vector_store %arg12[%swap3A_203, %swap3A_204, %swap3A_205], %swap3A_208 {strides = array<i32>} : memref<1x8x64xf32, #tpu.memory_space<vmem>>, vector<1x1x64xf32>,
    %slice3A_209 = vector.extract_strided_slice %dot_general3A_30 {offsets = [0, 128], sizes = [4096, 64], strides = [1, 1]} : vector<4096x256xf32> to vector<4096x64xf32>
    %reduce_max3A_210 = arith.constant dense<0xFF800000> : vector<4096xf32>
    %reduce_max3A_211 = vector.multi_reduction <maximumf>, %slice3A_209, %reduce_max3A_210 [1] : vector<4096x64xf32> to vector<4096xf32>
    %broadcast_in_dim3A_212 = vector.shape_cast %reduce_max3A_211 : vector<4096xf32> to vector<4096x1xf32>
    %eq3A_213 = vector.broadcast %broadcast_in_dim3A_212 : vector<4096x1xf32> to vector<4096x64xf32>
    %eq3A_214 = arith.cmpf oeq, %slice3A_209, %eq3A_213 : vector<4096x64xf32>
    %jit3A_215 = arith.constant 64 : i32
    %broadcast_in_dim3A_216 = vector.broadcast %jit3A_215 : i32 to vector<4096x64xi32>
    %select_n3A_217 = arith.select %eq3A_214, %iota3A, %broadcast_in_dim3A_216 : vector<4096x64xi1>, vector<4096x64xi32>
    %reduce_min3A_218 = arith.constant dense<2147483647> : vector<4096xi32>
    %reduce_min3A_219 = vector.multi_reduction <minsi>, %select_n3A_217, %reduce_min3A_218 [1] : vector<4096x64xi32> to vector<4096xi32>
    %broadcast_in_dim3A_220 = vector.shape_cast %reduce_min3A_219 : vector<4096xi32> to vector<4096x1xi32>
    %eq3A_221 = vector.broadcast %broadcast_in_dim3A_220 : vector<4096x1xi32> to vector<4096x64xi32>
    %eq3A_222 = arith.cmpi eq, %iota3A, %eq3A_221 : vector<4096x64xi32>
    %convert_element_type3A_223 = arith.extui %eq3A_222 : vector<4096x64xi1> to vector<4096x64xi32>
    %convert_element_type3A_224 = arith.sitofp %convert_element_type3A_223 : vector<4096x64xi32> to vector<4096x64xf32>
    %reshape3A_225 = vector.shape_cast %convert_element_type3A_224 : vector<4096x64xf32> to vector<64x64x64xf32>
    "tpu.trace_start"() <{level = 10 : i32, message = "ij,bjk->bik"}> : () -> ()
    %dot_general3A_226 = arith.constant dense<0.000000e+00> : vector<64x64x64xf32>
    %dot_general3A_227 = tpu.matmul %reshape3A_225, %get3A_33, %dot_general3A_226 {dimension_numbers = #tpu.dot_dimension_numbers<[1], [1], [0, 2], [0], [0, 0, 0, 2, 1, 0], [], []>, transpose_lhs_hint = false} : vector<64x64x64xf32>, vector<64x64xf32>, vector<64x64x64xf32> -> vector<64x64x64xf32>
    %transpose3A_228 = tpu.transpose %dot_general3A_227, [0, 2, 1] : vector<64x64x64xf32> -> vector<64x64x64xf32>
    "tpu.trace_stop"() : () -> ()
    %reshape3A_229 = vector.shape_cast %transpose3A_228 : vector<64x64x64xf32> to vector<4096x64xf32>
    %dot_general3A_230 = arith.constant dense<0.000000e+00> : vector<64x64xf32>
    %dot_general3A_231 = tpu.matmul %get3A_42, %convert_element_type3A_224, %dot_general3A_230 {dimension_numbers = #tpu.dot_dimension_numbers<[1], [0], [0], [1], [0, 0, 1, 1], [], []>, transpose_lhs_hint = false} : vector<64x4096xf32>, vector<4096x64xf32>, vector<64x64xf32> -> vector<64x64xf32>
    %dot_general3A_232 = arith.constant dense<0.000000e+00> : vector<64x64xf32>
    %dot_general3A_233 = tpu.matmul %get3A_36, %dot_general3A_231, %dot_general3A_232 {dimension_numbers = #tpu.dot_dimension_numbers<[1], [0], [0], [1], [0, 0, 1, 1], [], []>, transpose_lhs_hint = false} : vector<64x64xf32>, vector<64x64xf32>, vector<64x64xf32> -> vector<64x64xf32>
    %dot_general3A_234 = arith.constant dense<0.000000e+00> : vector<4096x64xf32>
    %dot_general3A_235 = tpu.matmul %get3A_45, %dot_general3A_233, %dot_general3A_234 {dimension_numbers = #tpu.dot_dimension_numbers<[1], [0], [0], [1], [0, 0, 1, 1], [], []>, transpose_lhs_hint = false} : vector<4096x64xf32>, vector<64x64xf32>, vector<4096x64xf32> -> vector<4096x64xf32>
    %reduce_sum3A_236 = arith.constant dense<0.000000e+00> : vector<64xf32>
    %reduce_sum3A_237 = vector.multi_reduction <add>, %dot_general3A_231, %reduce_sum3A_236 [0] : vector<64x64xf32> to vector<64xf32>
    %broadcast_in_dim3A_238 = vector.shape_cast %reduce_sum3A_237 : vector<64xf32> to vector<1x64xf32>
    %dot_general3A_239 = arith.constant dense<0.000000e+00> : vector<1x64xf32>
    %dot_general3A_240 = tpu.matmul %broadcast_in_dim3A_238, %get3A_39, %dot_general3A_239 {dimension_numbers = #tpu.dot_dimension_numbers<[1], [0], [0], [1], [0, 0, 1, 1], [], []>, transpose_lhs_hint = false} : vector<1x64xf32>, vector<64x64xf32>, vector<1x64xf32> -> vector<1x64xf32>
    %sub3A_241 = arith.constant 1.000000e+00 : f32
    %sub3A_242 = vector.broadcast %sub3A_241 : f32 to vector<4096x64xf32>
    %sub3A_243 = arith.subf %reshape3A_229, %sub3A_242 : vector<4096x64xf32>
    %add3A_244 = arith.addf %sub3A_243, %dot_general3A_235 : vector<4096x64xf32>
    %add3A_245 = vector.broadcast %dot_general3A_240 : vector<1x64xf32> to vector<4096x64xf32>
    %add3A_246 = arith.addf %add3A_244, %add3A_245 : vector<4096x64xf32>
    %mul3A_247 = arith.mulf %convert_element_type3A_224, %add3A_246 : vector<4096x64xf32>
    %reshape3A_248 = vector.shape_cast %mul3A_247 : vector<4096x64xf32> to vector<64x64x64xf32>
    %reduce_sum3A_249 = arith.constant dense<0.000000e+00> : vector<64x64xf32>
    %reduce_sum3A_250 = vector.multi_reduction <add>, %reshape3A_248, %reduce_sum3A_249 [2] : vector<64x64x64xf32> to vector<64x64xf32>
    %mul3A_251 = arith.constant 4 : i32
    %mul3A_252 = arith.muli %arg0, %mul3A_251 : i32
    %add3A_253 = arith.constant 2 : i32
    %add3A_254 = arith.addi %mul3A_252, %add3A_253 : i32
    %mul3A_255 = arith.constant 4096 : i32
    %mul3A_256 = arith.muli %add3A_254, %mul3A_255 : i32
    %convert_element_type3A_257 = arith.fptosi %reduce_sum3A_250 : vector<64x64xf32> to vector<64x64xi32>
    %add3A_258 = vector.broadcast %mul3A_256 : i32 to vector<64x64xi32>
    %add3A_259 = arith.addi %convert_element_type3A_257, %add3A_258 : vector<64x64xi32>
    %reshape3A_260 = vector.shape_cast %add3A_259 : vector<64x64xi32> to vector<4x1024xi32>
    %swap3A_261 = arith.constant 0 : index
    %swap3A_262 = arith.constant 8 : index
    %swap3A_263 = arith.constant 0 : index
    %swap3A_264 = vector.load %arg11[%swap3A_261, %swap3A_262, %swap3A_263] : memref<1x16x1024xi32, #tpu.memory_space<vmem>>, vector<1x4x1024xi32>
    %swap3A_265 = vector.shape_cast %swap3A_264 : vector<1x4x1024xi32> to vector<4x1024xi32>
    %swap3A_266 = vector.shape_cast %reshape3A_260 : vector<4x1024xi32> to vector<1x4x1024xi32>
    tpu.vector_store %arg11[%swap3A_261, %swap3A_262, %swap3A_263], %swap3A_266 {strides = array<i32>} : memref<1x16x1024xi32, #tpu.memory_space<vmem>>, vector<1x4x1024xi32>,
    %reshape3A_267 = vector.shape_cast %reduce_sum3A_250 : vector<64x64xf32> to vector<4096x1xf32>
    %iota3A_268 = tpu.iota {dimensions = array<i32: 1>} : vector<4096x128xi32>
    %lt3A_269 = arith.constant 64 : i32
    %lt3A_270 = vector.broadcast %lt3A_269 : i32 to vector<4096x128xi32>
    %lt3A_271 = arith.cmpi slt, %iota3A_268, %lt3A_270 : vector<4096x128xi32>
    %add3A_272 = arith.constant 3968 : i32
    %add3A_273 = vector.broadcast %add3A_272 : i32 to vector<4096x128xi32>
    %add3A_274 = arith.addi %iota3A_268, %add3A_273 : vector<4096x128xi32>
    %select_n3A_275 = arith.select %lt3A_271, %iota3A_268, %add3A_274 : vector<4096x128xi1>, vector<4096x128xi32>
    %convert_element_type3A_276 = arith.fptosi %reshape3A_267 : vector<4096x1xf32> to vector<4096x1xi32>
    %eq3A_277 = vector.broadcast %convert_element_type3A_276 : vector<4096x1xi32> to vector<4096x128xi32>
    %eq3A_278 = arith.cmpi eq, %eq3A_277, %select_n3A_275 : vector<4096x128xi32>
    %convert_element_type3A_279 = arith.extui %eq3A_278 : vector<4096x128xi1> to vector<4096x128xi32>
    %convert_element_type3A_280 = arith.sitofp %convert_element_type3A_279 : vector<4096x128xi32> to vector<4096x128xf32>
    %dot_general3A_281 = arith.constant dense<0.000000e+00> : vector<1x128xf32>
    %dot_general3A_282 = tpu.matmul %convert_element_type3A, %convert_element_type3A_280, %dot_general3A_281 {dimension_numbers = #tpu.dot_dimension_numbers<[1], [0], [0], [1], [0, 0, 1, 1], [], []>, transpose_lhs_hint = false} : vector<1x4096xf32>, vector<4096x128xf32>, vector<1x128xf32> -> vector<1x128xf32>
    %slice3A_283 = vector.extract_strided_slice %dot_general3A_282 {offsets = [0, 0], sizes = [1, 64], strides = [1, 1]} : vector<1x128xf32> to vector<1x64xf32>
    %swap3A_284 = arith.constant 0 : index
    %swap3A_285 = arith.constant 4 : index
    %swap3A_286 = arith.constant 0 : index
    %swap3A_287 = vector.load %arg12[%swap3A_284, %swap3A_285, %swap3A_286] : memref<1x8x64xf32, #tpu.memory_space<vmem>>, vector<1x1x64xf32>
    %swap3A_288 = vector.shape_cast %swap3A_287 : vector<1x1x64xf32> to vector<1x64xf32>
    %swap3A_289 = vector.shape_cast %slice3A_283 : vector<1x64xf32> to vector<1x1x64xf32>
    tpu.vector_store %arg12[%swap3A_284, %swap3A_285, %swap3A_286], %swap3A_289 {strides = array<i32>} : memref<1x8x64xf32, #tpu.memory_space<vmem>>, vector<1x1x64xf32>,
    %slice3A_290 = vector.extract_strided_slice %dot_general3A_282 {offsets = [0, 64], sizes = [1, 64], strides = [1, 1]} : vector<1x128xf32> to vector<1x64xf32>
    %swap3A_291 = arith.constant 0 : index
    %swap3A_292 = arith.constant 5 : index
    %swap3A_293 = arith.constant 0 : index
    %swap3A_294 = vector.load %arg12[%swap3A_291, %swap3A_292, %swap3A_293] : memref<1x8x64xf32, #tpu.memory_space<vmem>>, vector<1x1x64xf32>
    %swap3A_295 = vector.shape_cast %swap3A_294 : vector<1x1x64xf32> to vector<1x64xf32>
    %swap3A_296 = vector.shape_cast %slice3A_290 : vector<1x64xf32> to vector<1x1x64xf32>
    tpu.vector_store %arg12[%swap3A_291, %swap3A_292, %swap3A_293], %swap3A_296 {strides = array<i32>} : memref<1x8x64xf32, #tpu.memory_space<vmem>>, vector<1x1x64xf32>,
    %slice3A_297 = vector.extract_strided_slice %dot_general3A_30 {offsets = [0, 192], sizes = [4096, 64], strides = [1, 1]} : vector<4096x256xf32> to vector<4096x64xf32>
    %reduce_max3A_298 = arith.constant dense<0xFF800000> : vector<4096xf32>
    %reduce_max3A_299 = vector.multi_reduction <maximumf>, %slice3A_297, %reduce_max3A_298 [1] : vector<4096x64xf32> to vector<4096xf32>
    %broadcast_in_dim3A_300 = vector.shape_cast %reduce_max3A_299 : vector<4096xf32> to vector<4096x1xf32>
    %eq3A_301 = vector.broadcast %broadcast_in_dim3A_300 : vector<4096x1xf32> to vector<4096x64xf32>
    %eq3A_302 = arith.cmpf oeq, %slice3A_297, %eq3A_301 : vector<4096x64xf32>
    %jit3A_303 = arith.constant 64 : i32
    %broadcast_in_dim3A_304 = vector.broadcast %jit3A_303 : i32 to vector<4096x64xi32>
    %select_n3A_305 = arith.select %eq3A_302, %iota3A, %broadcast_in_dim3A_304 : vector<4096x64xi1>, vector<4096x64xi32>
    %reduce_min3A_306 = arith.constant dense<2147483647> : vector<4096xi32>
    %reduce_min3A_307 = vector.multi_reduction <minsi>, %select_n3A_305, %reduce_min3A_306 [1] : vector<4096x64xi32> to vector<4096xi32>
    %broadcast_in_dim3A_308 = vector.shape_cast %reduce_min3A_307 : vector<4096xi32> to vector<4096x1xi32>
    %eq3A_309 = vector.broadcast %broadcast_in_dim3A_308 : vector<4096x1xi32> to vector<4096x64xi32>
    %eq3A_310 = arith.cmpi eq, %iota3A, %eq3A_309 : vector<4096x64xi32>
    %convert_element_type3A_311 = arith.extui %eq3A_310 : vector<4096x64xi1> to vector<4096x64xi32>
    %convert_element_type3A_312 = arith.sitofp %convert_element_type3A_311 : vector<4096x64xi32> to vector<4096x64xf32>
    %reshape3A_313 = vector.shape_cast %convert_element_type3A_312 : vector<4096x64xf32> to vector<64x64x64xf32>
    "tpu.trace_start"() <{level = 10 : i32, message = "ij,bjk->bik"}> : () -> ()
    %dot_general3A_314 = arith.constant dense<0.000000e+00> : vector<64x64x64xf32>
    %dot_general3A_315 = tpu.matmul %reshape3A_313, %get3A_33, %dot_general3A_314 {dimension_numbers = #tpu.dot_dimension_numbers<[1], [1], [0, 2], [0], [0, 0, 0, 2, 1, 0], [], []>, transpose_lhs_hint = false} : vector<64x64x64xf32>, vector<64x64xf32>, vector<64x64x64xf32> -> vector<64x64x64xf32>
    %transpose3A_316 = tpu.transpose %dot_general3A_315, [0, 2, 1] : vector<64x64x64xf32> -> vector<64x64x64xf32>
    "tpu.trace_stop"() : () -> ()
    %reshape3A_317 = vector.shape_cast %transpose3A_316 : vector<64x64x64xf32> to vector<4096x64xf32>
    %dot_general3A_318 = arith.constant dense<0.000000e+00> : vector<64x64xf32>
    %dot_general3A_319 = tpu.matmul %get3A_42, %convert_element_type3A_312, %dot_general3A_318 {dimension_numbers = #tpu.dot_dimension_numbers<[1], [0], [0], [1], [0, 0, 1, 1], [], []>, transpose_lhs_hint = false} : vector<64x4096xf32>, vector<4096x64xf32>, vector<64x64xf32> -> vector<64x64xf32>
    %dot_general3A_320 = arith.constant dense<0.000000e+00> : vector<64x64xf32>
    %dot_general3A_321 = tpu.matmul %get3A_36, %dot_general3A_319, %dot_general3A_320 {dimension_numbers = #tpu.dot_dimension_numbers<[1], [0], [0], [1], [0, 0, 1, 1], [], []>, transpose_lhs_hint = false} : vector<64x64xf32>, vector<64x64xf32>, vector<64x64xf32> -> vector<64x64xf32>
    %dot_general3A_322 = arith.constant dense<0.000000e+00> : vector<4096x64xf32>
    %dot_general3A_323 = tpu.matmul %get3A_45, %dot_general3A_321, %dot_general3A_322 {dimension_numbers = #tpu.dot_dimension_numbers<[1], [0], [0], [1], [0, 0, 1, 1], [], []>, transpose_lhs_hint = false} : vector<4096x64xf32>, vector<64x64xf32>, vector<4096x64xf32> -> vector<4096x64xf32>
    %reduce_sum3A_324 = arith.constant dense<0.000000e+00> : vector<64xf32>
    %reduce_sum3A_325 = vector.multi_reduction <add>, %dot_general3A_319, %reduce_sum3A_324 [0] : vector<64x64xf32> to vector<64xf32>
    %broadcast_in_dim3A_326 = vector.shape_cast %reduce_sum3A_325 : vector<64xf32> to vector<1x64xf32>
    %dot_general3A_327 = arith.constant dense<0.000000e+00> : vector<1x64xf32>
    %dot_general3A_328 = tpu.matmul %broadcast_in_dim3A_326, %get3A_39, %dot_general3A_327 {dimension_numbers = #tpu.dot_dimension_numbers<[1], [0], [0], [1], [0, 0, 1, 1], [], []>, transpose_lhs_hint = false} : vector<1x64xf32>, vector<64x64xf32>, vector<1x64xf32> -> vector<1x64xf32>
    %sub3A_329 = arith.constant 1.000000e+00 : f32
    %sub3A_330 = vector.broadcast %sub3A_329 : f32 to vector<4096x64xf32>
    %sub3A_331 = arith.subf %reshape3A_317, %sub3A_330 : vector<4096x64xf32>
    %add3A_332 = arith.addf %sub3A_331, %dot_general3A_323 : vector<4096x64xf32>
    %add3A_333 = vector.broadcast %dot_general3A_328 : vector<1x64xf32> to vector<4096x64xf32>
    %add3A_334 = arith.addf %add3A_332, %add3A_333 : vector<4096x64xf32>
    %mul3A_335 = arith.mulf %convert_element_type3A_312, %add3A_334 : vector<4096x64xf32>
    %reshape3A_336 = vector.shape_cast %mul3A_335 : vector<4096x64xf32> to vector<64x64x64xf32>
    %reduce_sum3A_337 = arith.constant dense<0.000000e+00> : vector<64x64xf32>
    %reduce_sum3A_338 = vector.multi_reduction <add>, %reshape3A_336, %reduce_sum3A_337 [2] : vector<64x64x64xf32> to vector<64x64xf32>
    %mul3A_339 = arith.constant 4 : i32
    %mul3A_340 = arith.muli %arg0, %mul3A_339 : i32
    %add3A_341 = arith.constant 3 : i32
    %add3A_342 = arith.addi %mul3A_340, %add3A_341 : i32
    %mul3A_343 = arith.constant 4096 : i32
    %mul3A_344 = arith.muli %add3A_342, %mul3A_343 : i32
    %convert_element_type3A_345 = arith.fptosi %reduce_sum3A_338 : vector<64x64xf32> to vector<64x64xi32>
    %add3A_346 = vector.broadcast %mul3A_344 : i32 to vector<64x64xi32>
    %add3A_347 = arith.addi %convert_element_type3A_345, %add3A_346 : vector<64x64xi32>
    %reshape3A_348 = vector.shape_cast %add3A_347 : vector<64x64xi32> to vector<4x1024xi32>
    %swap3A_349 = arith.constant 0 : index
    %swap3A_350 = arith.constant 12 : index
    %swap3A_351 = arith.constant 0 : index
    %swap3A_352 = vector.load %arg11[%swap3A_349, %swap3A_350, %swap3A_351] : memref<1x16x1024xi32, #tpu.memory_space<vmem>>, vector<1x4x1024xi32>
    %swap3A_353 = vector.shape_cast %swap3A_352 : vector<1x4x1024xi32> to vector<4x1024xi32>
    %swap3A_354 = vector.shape_cast %reshape3A_348 : vector<4x1024xi32> to vector<1x4x1024xi32>
    tpu.vector_store %arg11[%swap3A_349, %swap3A_350, %swap3A_351], %swap3A_354 {strides = array<i32>} : memref<1x16x1024xi32, #tpu.memory_space<vmem>>, vector<1x4x1024xi32>,
    %reshape3A_355 = vector.shape_cast %reduce_sum3A_338 : vector<64x64xf32> to vector<4096x1xf32>
    %iota3A_356 = tpu.iota {dimensions = array<i32: 1>} : vector<4096x128xi32>
    %lt3A_357 = arith.constant 64 : i32
    %lt3A_358 = vector.broadcast %lt3A_357 : i32 to vector<4096x128xi32>
    %lt3A_359 = arith.cmpi slt, %iota3A_356, %lt3A_358 : vector<4096x128xi32>
    %add3A_360 = arith.constant 3968 : i32
    %add3A_361 = vector.broadcast %add3A_360 : i32 to vector<4096x128xi32>
    %add3A_362 = arith.addi %iota3A_356, %add3A_361 : vector<4096x128xi32>
    %select_n3A_363 = arith.select %lt3A_359, %iota3A_356, %add3A_362 : vector<4096x128xi1>, vector<4096x128xi32>
    %convert_element_type3A_364 = arith.fptosi %reshape3A_355 : vector<4096x1xf32> to vector<4096x1xi32>
    %eq3A_365 = vector.broadcast %convert_element_type3A_364 : vector<4096x1xi32> to vector<4096x128xi32>
    %eq3A_366 = arith.cmpi eq, %eq3A_365, %select_n3A_363 : vector<4096x128xi32>
    %convert_element_type3A_367 = arith.extui %eq3A_366 : vector<4096x128xi1> to vector<4096x128xi32>
    %convert_element_type3A_368 = arith.sitofp %convert_element_type3A_367 : vector<4096x128xi32> to vector<4096x128xf32>
    %dot_general3A_369 = arith.constant dense<0.000000e+00> : vector<1x128xf32>
    %dot_general3A_370 = tpu.matmul %convert_element_type3A, %convert_element_type3A_368, %dot_general3A_369 {dimension_numbers = #tpu.dot_dimension_numbers<[1], [0], [0], [1], [0, 0, 1, 1], [], []>, transpose_lhs_hint = false} : vector<1x4096xf32>, vector<4096x128xf32>, vector<1x128xf32> -> vector<1x128xf32>
    %slice3A_371 = vector.extract_strided_slice %dot_general3A_370 {offsets = [0, 0], sizes = [1, 64], strides = [1, 1]} : vector<1x128xf32> to vector<1x64xf32>
    %swap3A_372 = arith.constant 0 : index
    %swap3A_373 = arith.constant 6 : index
    %swap3A_374 = arith.constant 0 : index
    %swap3A_375 = vector.load %arg12[%swap3A_372, %swap3A_373, %swap3A_374] : memref<1x8x64xf32, #tpu.memory_space<vmem>>, vector<1x1x64xf32>
    %swap3A_376 = vector.shape_cast %swap3A_375 : vector<1x1x64xf32> to vector<1x64xf32>
    %swap3A_377 = vector.shape_cast %slice3A_371 : vector<1x64xf32> to vector<1x1x64xf32>
    tpu.vector_store %arg12[%swap3A_372, %swap3A_373, %swap3A_374], %swap3A_377 {strides = array<i32>} : memref<1x8x64xf32, #tpu.memory_space<vmem>>, vector<1x1x64xf32>,
    %slice3A_378 = vector.extract_strided_slice %dot_general3A_370 {offsets = [0, 64], sizes = [1, 64], strides = [1, 1]} : vector<1x128xf32> to vector<1x64xf32>
    %swap3A_379 = arith.constant 0 : index
    %swap3A_380 = arith.constant 7 : index
    %swap3A_381 = arith.constant 0 : index
    %swap3A_382 = vector.load %arg12[%swap3A_379, %swap3A_380, %swap3A_381] : memref<1x8x64xf32, #tpu.memory_space<vmem>>, vector<1x1x64xf32>
    %swap3A_383 = vector.shape_cast %swap3A_382 : vector<1x1x64xf32> to vector<1x64xf32>
    %swap3A_384 = vector.shape_cast %slice3A_378 : vector<1x64xf32> to vector<1x1x64xf32>
    tpu.vector_store %arg12[%swap3A_379, %swap3A_380, %swap3A_381], %swap3A_384 {strides = array<i32>} : memref<1x8x64xf32, #tpu.memory_space<vmem>>, vector<1x1x64xf32>,
    return
  }
  func.func @transform_0(%arg0: i32) -> (i32, i32) {
    %c0_i32 = arith.constant 0 : i32
    %c0_i32_0 = arith.constant 0 : i32
    %c0_i32_1 = arith.constant 0 : i32
    return %c0_i32, %c0_i32_0 : i32, i32
  }
  func.func @transform_1(%arg0: i32) -> (i32, i32, i32) {
    %c0_i32 = arith.constant 0 : i32
    %c0_i32_0 = arith.constant 0 : i32
    %c0_i32_1 = arith.constant 0 : i32
    return %arg0, %c0_i32, %c0_i32_0 : i32, i32, i32
  }
  func.func @transform_2(%arg0: i32) -> (i32, i32, i32) {
    %c0_i32 = arith.constant 0 : i32
    %c0_i32_0 = arith.constant 0 : i32
    %c0_i32_1 = arith.constant 0 : i32
    return %arg0, %c0_i32, %c0_i32_0 : i32, i32, i32
  }
  func.func @transform_3(%arg0: i32) -> (i32, i32) {
    %c0_i32 = arith.constant 0 : i32
    %c0_i32_0 = arith.constant 0 : i32
    %c0_i32_1 = arith.constant 0 : i32
    return %c0_i32, %c0_i32_0 : i32, i32
  }
  func.func @transform_4(%arg0: i32) -> (i32, i32) {
    %c0_i32 = arith.constant 0 : i32
    %c0_i32_0 = arith.constant 0 : i32
    %c0_i32_1 = arith.constant 0 : i32
    return %c0_i32, %c0_i32_0 : i32, i32
  }
  func.func @transform_5(%arg0: i32) -> (i32, i32) {
    %c0_i32 = arith.constant 0 : i32
    %c0_i32_0 = arith.constant 0 : i32
    %c0_i32_1 = arith.constant 0 : i32
    return %c0_i32, %c0_i32_0 : i32, i32
  }
  func.func @transform_6(%arg0: i32) -> (i32, i32) {
    %c0_i32 = arith.constant 0 : i32
    %c0_i32_0 = arith.constant 0 : i32
    %c0_i32_1 = arith.constant 0 : i32
    return %c0_i32, %c0_i32_0 : i32, i32
  }
  func.func @transform_7(%arg0: i32) -> (i32, i32) {
    %c0_i32 = arith.constant 0 : i32
    %c0_i32_0 = arith.constant 0 : i32
    %c0_i32_1 = arith.constant 0 : i32
    return %c0_i32, %c0_i32_0 : i32, i32
  }
  func.func @transform_8(%arg0: i32) -> (i32, i32) {
    %c0_i32 = arith.constant 0 : i32
    %c0_i32_0 = arith.constant 0 : i32
    %c0_i32_1 = arith.constant 0 : i32
    return %c0_i32, %c0_i32_0 : i32, i32
  }
  func.func @transform_9(%arg0: i32) -> (i32, i32, i32) {
    %c0_i32 = arith.constant 0 : i32
    %c0_i32_0 = arith.constant 0 : i32
    %c0_i32_1 = arith.constant 0 : i32
    return %arg0, %c0_i32, %c0_i32_0 : i32, i32, i32
  }
  func.func @transform_10(%arg0: i32) -> (i32, i32, i32) {
    %c0_i32 = arith.constant 0 : i32
    %c0_i32_0 = arith.constant 0 : i32
    %c0_i32_1 = arith.constant 0 : i32
    return %arg0, %c0_i32, %c0_i32_0 : i32, i32, i32
  }
  func.func @transform_11(%arg0: i32) -> (i32, i32, i32) {
    %c0_i32 = arith.constant 0 : i32
    %c0_i32_0 = arith.constant 0 : i32
    %c0_i32_1 = arith.constant 0 : i32
    return %arg0, %c0_i32, %c0_i32_0 : i32, i32, i32
  }
}

module attributes {stable_mosaic.version = 14 : i64} {
  func.func @_attn_body(%arg0: i32, %arg1: i32, %arg2: memref<1x64x64x128xf32, #tpu.memory_space<vmem>>, %arg3: memref<1x1x64x128xf32, #tpu.memory_space<vmem>>, %arg4: memref<1x8x64xf32, #tpu.memory_space<vmem>>, %arg5: memref<64x128xf32, #tpu.memory_space<vmem>>, %arg6: memref<1x64x64x128xf32, #tpu.memory_space<vmem>>) attributes {dimension_semantics = [#tpu.dimension_semantics<arbitrary>, #tpu.dimension_semantics<arbitrary>], iteration_bounds = array<i64: 6, 4>, scalar_prefetch = 0 : i64, scratch_operands = 0 : i64, tpu.core_type = #tpu.core_type<tc>, window_params = [{transform_indices = @transform_0, window_bounds = array<i64: 1, 64, 64, 128>}, {transform_indices = @transform_1, window_bounds = array<i64: 1, 1, 64, 128>}, {transform_indices = @transform_2, window_bounds = array<i64: 1, 8, 64>}, {pipeline_mode = #tpu.pipeline_mode<synchronous>, transform_indices = @transform_3, window_bounds = array<i64: 64, 128>}, {transform_indices = @transform_4, window_bounds = array<i64: 1, 64, 64, 128>}]} {
    %get3A = arith.constant 0 : index
    %get3A_0 = arith.constant 0 : index
    %get3A_1 = arith.constant 0 : index
    %get3A_2 = arith.constant 0 : index
    %get3A_3 = vector.load %arg2[%get3A, %get3A_0, %get3A_1, %get3A_2] : memref<1x64x64x128xf32, #tpu.memory_space<vmem>>, vector<1x64x64x128xf32>
    %get3A_4 = vector.shape_cast %get3A_3 : vector<1x64x64x128xf32> to vector<64x64x128xf32>
    %get3A_5 = arith.constant 0 : index
    %get3A_6 = arith.constant 0 : index
    %get3A_7 = arith.constant 0 : index
    %get3A_8 = arith.constant 0 : index
    %get3A_9 = vector.load %arg3[%get3A_5, %get3A_6, %get3A_7, %get3A_8] : memref<1x1x64x128xf32, #tpu.memory_space<vmem>>, vector<1x1x64x128xf32>
    %get3A_10 = vector.shape_cast %get3A_9 : vector<1x1x64x128xf32> to vector<64x128xf32>
    %broadcast_in_dim3A = vector.shape_cast %get3A_10 : vector<64x128xf32> to vector<1x64x128xf32>
    %slice3A = vector.extract_strided_slice %get3A_4 {offsets = [0, 0, 0], sizes = [63, 64, 128], strides = [1, 1, 1]} : vector<64x64x128xf32> to vector<63x64x128xf32>
    %concatenate3A = tpu.concatenate %broadcast_in_dim3A, %slice3A in 0 : vector<1x64x128xf32>, vector<63x64x128xf32> -> vector<64x64x128xf32>
    %concatenate3A_11 = tpu.concatenate %get3A_4, %concatenate3A in 1 : vector<64x64x128xf32>, vector<64x64x128xf32> -> vector<64x128x128xf32>
    %slice3A_12 = vector.extract_strided_slice %get3A_4 {offsets = [0, 0, 0], sizes = [64, 64, 64], strides = [1, 1, 1]} : vector<64x64x128xf32> to vector<64x64x64xf32>
    %slice3A_13 = vector.extract_strided_slice %concatenate3A_11 {offsets = [0, 0, 0], sizes = [64, 128, 64], strides = [1, 1, 1]} : vector<64x128x128xf32> to vector<64x128x64xf32>
    %mul3A = arith.mulf %slice3A_13, %slice3A_13 : vector<64x128x64xf32>
    %reduce_sum3A = arith.constant dense<0.000000e+00> : vector<64x128xf32>
    %reduce_sum3A_14 = vector.multi_reduction <add>, %mul3A, %reduce_sum3A [2] : vector<64x128x64xf32> to vector<64x128xf32>
    %broadcast_in_dim3A_15 = vector.shape_cast %reduce_sum3A_14 : vector<64x128xf32> to vector<64x128x1xf32>
    %sqrt3A = math.sqrt %broadcast_in_dim3A_15 : vector<64x128x1xf32>
    %max3A = arith.constant 9.99999996E-13 : f32
    %max3A_16 = vector.broadcast %max3A : f32 to vector<64x128x1xf32>
    %max3A_17 = arith.maximumf %sqrt3A, %max3A_16 : vector<64x128x1xf32>
    %div3A = vector.broadcast %max3A_17 : vector<64x128x1xf32> to vector<64x128x64xf32>
    %div3A_18 = arith.divf %slice3A_13, %div3A : vector<64x128x64xf32>
    %slice3A_19 = vector.extract_strided_slice %concatenate3A_11 {offsets = [0, 0, 64], sizes = [64, 128, 64], strides = [1, 1, 1]} : vector<64x128x128xf32> to vector<64x128x64xf32>
    %dot_general3A = arith.constant dense<0.000000e+00> : vector<64x64x128xf32>
    %dot_general3A_20 = tpu.matmul %slice3A_12, %div3A_18, %dot_general3A {dimension_numbers = #tpu.dot_dimension_numbers<[2], [2], [1], [1], [0, 0, 0, 1, 1, 1], [0], [0]>, transpose_lhs_hint = false} : vector<64x64x64xf32>, vector<64x128x64xf32>, vector<64x64x128xf32> -> vector<64x64x128xf32>
    %mul3A_21 = arith.constant 1.250000e-01 : f32
    %mul3A_22 = vector.broadcast %mul3A_21 : f32 to vector<64x64x128xf32>
    %mul3A_23 = arith.mulf %dot_general3A_20, %mul3A_22 : vector<64x64x128xf32>
    %get3A_24 = arith.constant 0 : index
    %get3A_25 = arith.constant 0 : index
    %get3A_26 = vector.load %arg5[%get3A_24, %get3A_25] : memref<64x128xf32, #tpu.memory_space<vmem>>, vector<64x128xf32>
    %broadcast_in_dim3A_27 = vector.shape_cast %get3A_26 : vector<64x128xf32> to vector<1x64x128xf32>
    %mul3A_28 = vector.broadcast %broadcast_in_dim3A_27 : vector<1x64x128xf32> to vector<64x64x128xf32>
    %mul3A_29 = arith.mulf %mul3A_28, %mul3A_23 : vector<64x64x128xf32>
    %sub3A = arith.subf %mul3A_23, %mul3A_29 : vector<64x64x128xf32>
    %mul3A_30 = arith.constant -5.000000e+04 : f32
    %mul3A_31 = vector.broadcast %mul3A_30 : f32 to vector<1x64x128xf32>
    %mul3A_32 = arith.mulf %mul3A_31, %broadcast_in_dim3A_27 : vector<1x64x128xf32>
    %add3A = vector.broadcast %mul3A_32 : vector<1x64x128xf32> to vector<64x64x128xf32>
    %add3A_33 = arith.addf %sub3A, %add3A : vector<64x64x128xf32>
    %mul3A_34 = arith.constant 2 : i32
    %mul3A_35 = arith.muli %mul3A_34, %arg1 : i32
    %get3A_36 = arith.constant 0 : index
    %get3A_37 = arith.index_cast %mul3A_35 : i32 to index
    %get3A_38 = arith.constant 0 : index
    %get3A_39 = vector.load %arg4[%get3A_36, %get3A_37, %get3A_38] : memref<1x8x64xf32, #tpu.memory_space<vmem>>, vector<1x1x64xf32>
    %get3A_40 = vector.shape_cast %get3A_39 : vector<1x1x64xf32> to vector<1x64xf32>
    %add3A_41 = arith.constant 4 : i32
    %add3A_42 = arith.addi %arg1, %add3A_41 : i32
    %sub3A_43 = arith.constant 1 : i32
    %sub3A_44 = arith.subi %add3A_42, %sub3A_43 : i32
    %jit3A = arith.constant 4 : i32
    %eq3A = arith.constant 0 : i32
    %eq3A_45 = arith.cmpi eq, %jit3A, %eq3A : i32
    %jit3A_46 = arith.constant 1 : i32
    %select_n3A = arith.select %eq3A_45, %jit3A_46, %jit3A : i32
    %rem3A = arith.remsi %sub3A_44, %select_n3A : i32
    %ne3A = arith.constant 0 : i32
    %ne3A_47 = arith.cmpi ne, %rem3A, %ne3A : i32
    %lt3A = arith.constant 0 : i32
    %lt3A_48 = arith.cmpi slt, %rem3A, %lt3A : i32
    %lt3A_49 = arith.constant 0 : i32
    %lt3A_50 = arith.cmpi slt, %select_n3A, %lt3A_49 : i32
    %ne3A_51 = arith.xori %lt3A_48, %lt3A_50 : i1
    %and3A = arith.andi %ne3A_51, %ne3A_47 : i1
    %add3A_52 = arith.addi %rem3A, %select_n3A : i32
    %select_n3A_53 = arith.select %and3A, %add3A_52, %rem3A : i32
    %mul3A_54 = arith.constant 2 : i32
    %mul3A_55 = arith.muli %mul3A_54, %select_n3A_53 : i32
    %add3A_56 = arith.constant 1 : i32
    %add3A_57 = arith.addi %mul3A_55, %add3A_56 : i32
    %get3A_58 = arith.constant 0 : index
    %get3A_59 = arith.index_cast %add3A_57 : i32 to index
    %get3A_60 = arith.constant 0 : index
    %get3A_61 = vector.load %arg4[%get3A_58, %get3A_59, %get3A_60] : memref<1x8x64xf32, #tpu.memory_space<vmem>>, vector<1x1x64xf32>
    %get3A_62 = vector.shape_cast %get3A_61 : vector<1x1x64xf32> to vector<1x64xf32>
    %broadcast_in_dim3A_63 = arith.constant -1.000000e+00 : f32
    %broadcast_in_dim3A_64 = vector.broadcast %broadcast_in_dim3A_63 : f32 to vector<1x64xf32>
    %concatenate3A_65 = tpu.concatenate %broadcast_in_dim3A_64, %get3A_62 in 1 : vector<1x64xf32>, vector<1x64xf32> -> vector<1x128xf32>
    %broadcast_in_dim3A_66 = vector.shape_cast %get3A_40 : vector<1x64xf32> to vector<1x64xf32>
    %broadcast_in_dim3A_67 = vector.broadcast %broadcast_in_dim3A_66 : vector<1x64xf32> to vector<64x64xf32>
    %transpose3A = tpu.transpose %broadcast_in_dim3A_67, [1, 0] : vector<64x64xf32> -> vector<64x64xf32>
    %slice3A_68 = vector.extract_strided_slice %transpose3A {offsets = [0, 0], sizes = [64, 1], strides = [1, 1]} : vector<64x64xf32> to vector<64x1xf32>
    %broadcast_in_dim3A_69 = vector.shape_cast %slice3A_68 : vector<64x1xf32> to vector<1x64x1xf32>
    %broadcast_in_dim3A_70 = vector.shape_cast %concatenate3A_65 : vector<1x128xf32> to vector<1x1x128xf32>
    %eq3A_71 = vector.broadcast %broadcast_in_dim3A_69 : vector<1x64x1xf32> to vector<1x64x128xf32>
    %eq3A_72 = vector.broadcast %broadcast_in_dim3A_70 : vector<1x1x128xf32> to vector<1x64x128xf32>
    %eq3A_73 = arith.cmpf oeq, %eq3A_71, %eq3A_72 : vector<1x64x128xf32>
    %convert_element_type3A = arith.extui %eq3A_73 : vector<1x64x128xi1> to vector<1x64x128xi32>
    %convert_element_type3A_74 = arith.sitofp %convert_element_type3A : vector<1x64x128xi32> to vector<1x64x128xf32>
    %slice3A_75 = vector.extract_strided_slice %add3A_33 {offsets = [0, 0, 0], sizes = [1, 64, 128], strides = [1, 1, 1]} : vector<64x64x128xf32> to vector<1x64x128xf32>
    %mul3A_76 = arith.mulf %convert_element_type3A_74, %slice3A_75 : vector<1x64x128xf32>
    %sub3A_77 = arith.subf %slice3A_75, %mul3A_76 : vector<1x64x128xf32>
    %mul3A_78 = arith.constant -5.000000e+04 : f32
    %mul3A_79 = vector.broadcast %mul3A_78 : f32 to vector<1x64x128xf32>
    %mul3A_80 = arith.mulf %mul3A_79, %convert_element_type3A_74 : vector<1x64x128xf32>
    %add3A_81 = arith.addf %sub3A_77, %mul3A_80 : vector<1x64x128xf32>
    %slice3A_82 = vector.extract_strided_slice %add3A_33 {offsets = [1, 0, 0], sizes = [63, 64, 128], strides = [1, 1, 1]} : vector<64x64x128xf32> to vector<63x64x128xf32>
    %concatenate3A_83 = tpu.concatenate %add3A_81, %slice3A_82 in 0 : vector<1x64x128xf32>, vector<63x64x128xf32> -> vector<64x64x128xf32>
    %reduce_max3A = arith.constant dense<0xFF800000> : vector<64x64xf32>
    %reduce_max3A_84 = vector.multi_reduction <maximumf>, %concatenate3A_83, %reduce_max3A [2] : vector<64x64x128xf32> to vector<64x64xf32>
    %broadcast_in_dim3A_85 = vector.shape_cast %reduce_max3A_84 : vector<64x64xf32> to vector<64x64x1xf32>
    %sub3A_86 = vector.broadcast %broadcast_in_dim3A_85 : vector<64x64x1xf32> to vector<64x64x128xf32>
    %sub3A_87 = arith.subf %concatenate3A_83, %sub3A_86 : vector<64x64x128xf32>
    %exp3A = math.exp %sub3A_87 : vector<64x64x128xf32>
    %reduce_sum3A_88 = arith.constant dense<0.000000e+00> : vector<64x64xf32>
    %reduce_sum3A_89 = vector.multi_reduction <add>, %exp3A, %reduce_sum3A_88 [2] : vector<64x64x128xf32> to vector<64x64xf32>
    %broadcast_in_dim3A_90 = vector.shape_cast %reduce_sum3A_89 : vector<64x64xf32> to vector<64x64x1xf32>
    %log3A = math.log %broadcast_in_dim3A_90 : vector<64x64x1xf32>
    %add3A_91 = arith.addf %broadcast_in_dim3A_85, %log3A : vector<64x64x1xf32>
    %div3A_92 = vector.broadcast %broadcast_in_dim3A_90 : vector<64x64x1xf32> to vector<64x64x128xf32>
    %div3A_93 = arith.divf %exp3A, %div3A_92 : vector<64x64x128xf32>
    %dot_general3A_94 = arith.constant dense<0.000000e+00> : vector<64x64x64xf32>
    %dot_general3A_95 = tpu.matmul %div3A_93, %slice3A_19, %dot_general3A_94 {dimension_numbers = #tpu.dot_dimension_numbers<[2], [1], [1], [2], [0, 0, 0, 1, 1, 2], [0], [0]>, transpose_lhs_hint = false} : vector<64x64x128xf32>, vector<64x128x64xf32>, vector<64x64x64xf32> -> vector<64x64x64xf32>
    %swap3A = arith.constant 0 : index
    %swap3A_96 = arith.constant 0 : index
    %swap3A_97 = arith.constant 0 : index
    %swap3A_98 = arith.constant 0 : index
    %swap3A_99 = vector.load %arg6[%swap3A, %swap3A_96, %swap3A_97, %swap3A_98] : memref<1x64x64x128xf32, #tpu.memory_space<vmem>>, vector<1x64x64x64xf32>
    %swap3A_100 = vector.shape_cast %swap3A_99 : vector<1x64x64x64xf32> to vector<64x64x64xf32>
    %swap3A_101 = vector.shape_cast %dot_general3A_95 : vector<64x64x64xf32> to vector<1x64x64x64xf32>
    tpu.vector_store %arg6[%swap3A, %swap3A_96, %swap3A_97, %swap3A_98], %swap3A_101 {strides = array<i32>} : memref<1x64x64x128xf32, #tpu.memory_space<vmem>>, vector<1x64x64x64xf32>,
    %broadcast_in_dim3A_102 = vector.shape_cast %add3A_91 : vector<64x64x1xf32> to vector<64x64x1xf32>
    %broadcast_in_dim3A_103 = vector.broadcast %broadcast_in_dim3A_102 : vector<64x64x1xf32> to vector<64x64x64xf32>
    %swap3A_104 = arith.constant 0 : index
    %swap3A_105 = arith.constant 0 : index
    %swap3A_106 = arith.constant 0 : index
    %swap3A_107 = arith.constant 64 : index
    %swap3A_108 = vector.load %arg6[%swap3A_104, %swap3A_105, %swap3A_106, %swap3A_107] : memref<1x64x64x128xf32, #tpu.memory_space<vmem>>, vector<1x64x64x64xf32>
    %swap3A_109 = vector.shape_cast %swap3A_108 : vector<1x64x64x64xf32> to vector<64x64x64xf32>
    %swap3A_110 = vector.shape_cast %broadcast_in_dim3A_103 : vector<64x64x64xf32> to vector<1x64x64x64xf32>
    tpu.vector_store %arg6[%swap3A_104, %swap3A_105, %swap3A_106, %swap3A_107], %swap3A_110 {strides = array<i32>} : memref<1x64x64x128xf32, #tpu.memory_space<vmem>>, vector<1x64x64x64xf32>,
    return
  }
  func.func @transform_0(%arg0: i32, %arg1: i32) -> (i32, i32, i32, i32) {
    %c0_i32 = arith.constant 0 : i32
    %c0_i32_0 = arith.constant 0 : i32
    %c0_i32_1 = arith.constant 0 : i32
    return %arg0, %arg1, %c0_i32, %c0_i32_0 : i32, i32, i32, i32
  }
  func.func @transform_1(%arg0: i32, %arg1: i32) -> (i32, i32, i32, i32) {
    %mul3A = arith.constant 64 : i32
    %mul3A_0 = arith.muli %mul3A, %arg1 : i32
    %add3A = arith.constant 256 : i32
    %add3A_1 = arith.addi %mul3A_0, %add3A : i32
    %sub3A = arith.constant 1 : i32
    %sub3A_2 = arith.subi %add3A_1, %sub3A : i32
    %jit3A = arith.constant 256 : i32
    %eq3A = arith.constant 0 : i32
    %eq3A_3 = arith.cmpi eq, %jit3A, %eq3A : i32
    %jit3A_4 = arith.constant 1 : i32
    %select_n3A = arith.select %eq3A_3, %jit3A_4, %jit3A : i32
    %rem3A = arith.remsi %sub3A_2, %select_n3A : i32
    %ne3A = arith.constant 0 : i32
    %ne3A_5 = arith.cmpi ne, %rem3A, %ne3A : i32
    %lt3A = arith.constant 0 : i32
    %lt3A_6 = arith.cmpi slt, %rem3A, %lt3A : i32
    %lt3A_7 = arith.constant 0 : i32
    %lt3A_8 = arith.cmpi slt, %select_n3A, %lt3A_7 : i32
    %ne3A_9 = arith.xori %lt3A_6, %lt3A_8 : i1
    %and3A = arith.andi %ne3A_9, %ne3A_5 : i1
    %add3A_10 = arith.addi %rem3A, %select_n3A : i32
    %select_n3A_11 = arith.select %and3A, %add3A_10, %rem3A : i32
    %c0_i32 = arith.constant 0 : i32
    %c0_i32_12 = arith.constant 0 : i32
    %c0_i32_13 = arith.constant 0 : i32
    return %arg0, %select_n3A_11, %c0_i32, %c0_i32_12 : i32, i32, i32, i32
  }
  func.func @transform_2(%arg0: i32, %arg1: i32) -> (i32, i32, i32) {
    %c0_i32 = arith.constant 0 : i32
    %c0_i32_0 = arith.constant 0 : i32
    %c0_i32_1 = arith.constant 0 : i32
    return %arg0, %c0_i32, %c0_i32_0 : i32, i32, i32
  }
  func.func @transform_3(%arg0: i32, %arg1: i32) -> (i32, i32) {
    %c0_i32 = arith.constant 0 : i32
    %c0_i32_0 = arith.constant 0 : i32
    %c0_i32_1 = arith.constant 0 : i32
    return %c0_i32, %c0_i32_0 : i32, i32
  }
  func.func @transform_4(%arg0: i32, %arg1: i32) -> (i32, i32, i32, i32) {
    %c0_i32 = arith.constant 0 : i32
    %c0_i32_0 = arith.constant 0 : i32
    %c0_i32_1 = arith.constant 0 : i32
    return %arg0, %arg1, %c0_i32, %c0_i32_0 : i32, i32, i32, i32
  }
}

module attributes {stable_mosaic.version = 14 : i64} {
  func.func @_combine_body(%arg0: i32, %arg1: memref<6x4x512x128xf32, #tpu.memory_space<vmem>>, %arg2: memref<6x4x512x128xf32, #tpu.memory_space<vmem>>, %arg3: memref<768x768xf32, #tpu.memory_space<vmem>>, %arg4: memref<512x768xf32, #tpu.memory_space<vmem>>) attributes {dimension_semantics = [#tpu.dimension_semantics<arbitrary>], iteration_bounds = array<i64: 8>, scalar_prefetch = 0 : i64, scratch_operands = 0 : i64, tpu.core_type = #tpu.core_type<tc>, window_params = [{transform_indices = @transform_0, window_bounds = array<i64: 6, 4, 512, 128>}, {transform_indices = @transform_1, window_bounds = array<i64: 6, 4, 512, 128>}, {pipeline_mode = #tpu.pipeline_mode<synchronous>, transform_indices = @transform_2, window_bounds = array<i64: 768, 768>}, {transform_indices = @transform_3, window_bounds = array<i64: 512, 768>}]} {
    %get3A = arith.constant 0 : index
    %get3A_0 = arith.constant 0 : index
    %get3A_1 = arith.constant 0 : index
    %get3A_2 = arith.constant 0 : index
    %get3A_3 = vector.load %arg1[%get3A, %get3A_0, %get3A_1, %get3A_2] : memref<6x4x512x128xf32, #tpu.memory_space<vmem>>, vector<6x4x512x128xf32>
    %slice3A = vector.extract_strided_slice %get3A_3 {offsets = [0, 0, 0, 64], sizes = [6, 4, 512, 1], strides = [1, 1, 1, 1]} : vector<6x4x512x128xf32> to vector<6x4x512x1xf32>
    %reduce_max3A = arith.constant dense<0xFF800000> : vector<6x512x1xf32>
    %reduce_max3A_4 = vector.multi_reduction <maximumf>, %slice3A, %reduce_max3A [1] : vector<6x4x512x1xf32> to vector<6x512x1xf32>
    %broadcast_in_dim3A = vector.shape_cast %reduce_max3A_4 : vector<6x512x1xf32> to vector<6x1x512x1xf32>
    %sub3A = vector.broadcast %broadcast_in_dim3A : vector<6x1x512x1xf32> to vector<6x4x512x1xf32>
    %sub3A_5 = arith.subf %slice3A, %sub3A : vector<6x4x512x1xf32>
    %exp3A = math.exp %sub3A_5 : vector<6x4x512x1xf32>
    %reduce_sum3A = arith.constant dense<0.000000e+00> : vector<6x512x1xf32>
    %reduce_sum3A_6 = vector.multi_reduction <add>, %exp3A, %reduce_sum3A [1] : vector<6x4x512x1xf32> to vector<6x512x1xf32>
    %broadcast_in_dim3A_7 = vector.shape_cast %reduce_sum3A_6 : vector<6x512x1xf32> to vector<6x1x512x1xf32>
    %log3A = math.log %broadcast_in_dim3A_7 : vector<6x1x512x1xf32>
    %add3A = arith.addf %broadcast_in_dim3A, %log3A : vector<6x1x512x1xf32>
    %sub3A_8 = vector.broadcast %add3A : vector<6x1x512x1xf32> to vector<6x4x512x1xf32>
    %sub3A_9 = arith.subf %slice3A, %sub3A_8 : vector<6x4x512x1xf32>
    %exp3A_10 = math.exp %sub3A_9 : vector<6x4x512x1xf32>
    %slice3A_11 = vector.extract_strided_slice %get3A_3 {offsets = [0, 0, 0, 0], sizes = [6, 4, 512, 64], strides = [1, 1, 1, 1]} : vector<6x4x512x128xf32> to vector<6x4x512x64xf32>
    %mul3A = vector.broadcast %exp3A_10 : vector<6x4x512x1xf32> to vector<6x4x512x64xf32>
    %mul3A_12 = arith.mulf %slice3A_11, %mul3A : vector<6x4x512x64xf32>
    %reduce_sum3A_13 = arith.constant dense<0.000000e+00> : vector<6x512x64xf32>
    %reduce_sum3A_14 = vector.multi_reduction <add>, %mul3A_12, %reduce_sum3A_13 [1] : vector<6x4x512x64xf32> to vector<6x512x64xf32>
    %slice3A_15 = vector.extract_strided_slice %reduce_sum3A_14 {offsets = [0, 0, 0], sizes = [1, 512, 64], strides = [1, 1, 1]} : vector<6x512x64xf32> to vector<1x512x64xf32>
    %squeeze3A = vector.shape_cast %slice3A_15 : vector<1x512x64xf32> to vector<512x64xf32>
    %slice3A_16 = vector.extract_strided_slice %reduce_sum3A_14 {offsets = [1, 0, 0], sizes = [1, 512, 64], strides = [1, 1, 1]} : vector<6x512x64xf32> to vector<1x512x64xf32>
    %squeeze3A_17 = vector.shape_cast %slice3A_16 : vector<1x512x64xf32> to vector<512x64xf32>
    %slice3A_18 = vector.extract_strided_slice %reduce_sum3A_14 {offsets = [2, 0, 0], sizes = [1, 512, 64], strides = [1, 1, 1]} : vector<6x512x64xf32> to vector<1x512x64xf32>
    %squeeze3A_19 = vector.shape_cast %slice3A_18 : vector<1x512x64xf32> to vector<512x64xf32>
    %slice3A_20 = vector.extract_strided_slice %reduce_sum3A_14 {offsets = [3, 0, 0], sizes = [1, 512, 64], strides = [1, 1, 1]} : vector<6x512x64xf32> to vector<1x512x64xf32>
    %squeeze3A_21 = vector.shape_cast %slice3A_20 : vector<1x512x64xf32> to vector<512x64xf32>
    %slice3A_22 = vector.extract_strided_slice %reduce_sum3A_14 {offsets = [4, 0, 0], sizes = [1, 512, 64], strides = [1, 1, 1]} : vector<6x512x64xf32> to vector<1x512x64xf32>
    %squeeze3A_23 = vector.shape_cast %slice3A_22 : vector<1x512x64xf32> to vector<512x64xf32>
    %slice3A_24 = vector.extract_strided_slice %reduce_sum3A_14 {offsets = [5, 0, 0], sizes = [1, 512, 64], strides = [1, 1, 1]} : vector<6x512x64xf32> to vector<1x512x64xf32>
    %squeeze3A_25 = vector.shape_cast %slice3A_24 : vector<1x512x64xf32> to vector<512x64xf32>
    %get3A_26 = arith.constant 0 : index
    %get3A_27 = arith.constant 0 : index
    %get3A_28 = arith.constant 0 : index
    %get3A_29 = arith.constant 0 : index
    %get3A_30 = vector.load %arg2[%get3A_26, %get3A_27, %get3A_28, %get3A_29] : memref<6x4x512x128xf32, #tpu.memory_space<vmem>>, vector<6x4x512x128xf32>
    %slice3A_31 = vector.extract_strided_slice %get3A_30 {offsets = [0, 0, 0, 64], sizes = [6, 4, 512, 1], strides = [1, 1, 1, 1]} : vector<6x4x512x128xf32> to vector<6x4x512x1xf32>
    %reduce_max3A_32 = arith.constant dense<0xFF800000> : vector<6x512x1xf32>
    %reduce_max3A_33 = vector.multi_reduction <maximumf>, %slice3A_31, %reduce_max3A_32 [1] : vector<6x4x512x1xf32> to vector<6x512x1xf32>
    %broadcast_in_dim3A_34 = vector.shape_cast %reduce_max3A_33 : vector<6x512x1xf32> to vector<6x1x512x1xf32>
    %sub3A_35 = vector.broadcast %broadcast_in_dim3A_34 : vector<6x1x512x1xf32> to vector<6x4x512x1xf32>
    %sub3A_36 = arith.subf %slice3A_31, %sub3A_35 : vector<6x4x512x1xf32>
    %exp3A_37 = math.exp %sub3A_36 : vector<6x4x512x1xf32>
    %reduce_sum3A_38 = arith.constant dense<0.000000e+00> : vector<6x512x1xf32>
    %reduce_sum3A_39 = vector.multi_reduction <add>, %exp3A_37, %reduce_sum3A_38 [1] : vector<6x4x512x1xf32> to vector<6x512x1xf32>
    %broadcast_in_dim3A_40 = vector.shape_cast %reduce_sum3A_39 : vector<6x512x1xf32> to vector<6x1x512x1xf32>
    %log3A_41 = math.log %broadcast_in_dim3A_40 : vector<6x1x512x1xf32>
    %add3A_42 = arith.addf %broadcast_in_dim3A_34, %log3A_41 : vector<6x1x512x1xf32>
    %sub3A_43 = vector.broadcast %add3A_42 : vector<6x1x512x1xf32> to vector<6x4x512x1xf32>
    %sub3A_44 = arith.subf %slice3A_31, %sub3A_43 : vector<6x4x512x1xf32>
    %exp3A_45 = math.exp %sub3A_44 : vector<6x4x512x1xf32>
    %slice3A_46 = vector.extract_strided_slice %get3A_30 {offsets = [0, 0, 0, 0], sizes = [6, 4, 512, 64], strides = [1, 1, 1, 1]} : vector<6x4x512x128xf32> to vector<6x4x512x64xf32>
    %mul3A_47 = vector.broadcast %exp3A_45 : vector<6x4x512x1xf32> to vector<6x4x512x64xf32>
    %mul3A_48 = arith.mulf %slice3A_46, %mul3A_47 : vector<6x4x512x64xf32>
    %reduce_sum3A_49 = arith.constant dense<0.000000e+00> : vector<6x512x64xf32>
    %reduce_sum3A_50 = vector.multi_reduction <add>, %mul3A_48, %reduce_sum3A_49 [1] : vector<6x4x512x64xf32> to vector<6x512x64xf32>
    %slice3A_51 = vector.extract_strided_slice %reduce_sum3A_50 {offsets = [0, 0, 0], sizes = [1, 512, 64], strides = [1, 1, 1]} : vector<6x512x64xf32> to vector<1x512x64xf32>
    %squeeze3A_52 = vector.shape_cast %slice3A_51 : vector<1x512x64xf32> to vector<512x64xf32>
    %slice3A_53 = vector.extract_strided_slice %reduce_sum3A_50 {offsets = [1, 0, 0], sizes = [1, 512, 64], strides = [1, 1, 1]} : vector<6x512x64xf32> to vector<1x512x64xf32>
    %squeeze3A_54 = vector.shape_cast %slice3A_53 : vector<1x512x64xf32> to vector<512x64xf32>
    %slice3A_55 = vector.extract_strided_slice %reduce_sum3A_50 {offsets = [2, 0, 0], sizes = [1, 512, 64], strides = [1, 1, 1]} : vector<6x512x64xf32> to vector<1x512x64xf32>
    %squeeze3A_56 = vector.shape_cast %slice3A_55 : vector<1x512x64xf32> to vector<512x64xf32>
    %slice3A_57 = vector.extract_strided_slice %reduce_sum3A_50 {offsets = [3, 0, 0], sizes = [1, 512, 64], strides = [1, 1, 1]} : vector<6x512x64xf32> to vector<1x512x64xf32>
    %squeeze3A_58 = vector.shape_cast %slice3A_57 : vector<1x512x64xf32> to vector<512x64xf32>
    %slice3A_59 = vector.extract_strided_slice %reduce_sum3A_50 {offsets = [4, 0, 0], sizes = [1, 512, 64], strides = [1, 1, 1]} : vector<6x512x64xf32> to vector<1x512x64xf32>
    %squeeze3A_60 = vector.shape_cast %slice3A_59 : vector<1x512x64xf32> to vector<512x64xf32>
    %slice3A_61 = vector.extract_strided_slice %reduce_sum3A_50 {offsets = [5, 0, 0], sizes = [1, 512, 64], strides = [1, 1, 1]} : vector<6x512x64xf32> to vector<1x512x64xf32>
    %squeeze3A_62 = vector.shape_cast %slice3A_61 : vector<1x512x64xf32> to vector<512x64xf32>
    %concatenate3A = tpu.concatenate %squeeze3A, %squeeze3A_17, %squeeze3A_19, %squeeze3A_21, %squeeze3A_23, %squeeze3A_25, %squeeze3A_52, %squeeze3A_54, %squeeze3A_56, %squeeze3A_58, %squeeze3A_60, %squeeze3A_62 in 1 : vector<512x64xf32>, vector<512x64xf32>, vector<512x64xf32>, vector<512x64xf32>, vector<512x64xf32>, vector<512x64xf32>, vector<512x64xf32>, vector<512x64xf32>, vector<512x64xf32>, vector<512x64xf32>, vector<512x64xf32>, vector<512x64xf32> -> vector<512x768xf32>
    %get3A_63 = arith.constant 0 : index
    %get3A_64 = arith.constant 0 : index
    %get3A_65 = vector.load %arg3[%get3A_63, %get3A_64] : memref<768x768xf32, #tpu.memory_space<vmem>>, vector<768x768xf32>
    %dot_general3A = arith.constant dense<0.000000e+00> : vector<512x768xf32>
    %dot_general3A_66 = tpu.matmul %concatenate3A, %get3A_65, %dot_general3A {dimension_numbers = #tpu.dot_dimension_numbers<[1], [0], [0], [1], [0, 0, 1, 1], [], []>, transpose_lhs_hint = false} : vector<512x768xf32>, vector<768x768xf32>, vector<512x768xf32> -> vector<512x768xf32>
    %swap3A = arith.constant 0 : index
    %swap3A_67 = arith.constant 0 : index
    %swap3A_68 = vector.load %arg4[%swap3A, %swap3A_67] : memref<512x768xf32, #tpu.memory_space<vmem>>, vector<512x768xf32>
    tpu.vector_store %arg4[%swap3A, %swap3A_67], %dot_general3A_66 {strides = array<i32>} : memref<512x768xf32, #tpu.memory_space<vmem>>, vector<512x768xf32>,
    return
  }
  func.func @transform_0(%arg0: i32) -> (i32, i32, i32, i32) {
    %c0_i32 = arith.constant 0 : i32
    %c0_i32_0 = arith.constant 0 : i32
    %c0_i32_1 = arith.constant 0 : i32
    %c0_i32_2 = arith.constant 0 : i32
    return %c0_i32, %c0_i32_0, %arg0, %c0_i32_1 : i32, i32, i32, i32
  }
  func.func @transform_1(%arg0: i32) -> (i32, i32, i32, i32) {
    %c0_i32 = arith.constant 0 : i32
    %c0_i32_0 = arith.constant 0 : i32
    %c0_i32_1 = arith.constant 0 : i32
    %c0_i32_2 = arith.constant 0 : i32
    return %c0_i32, %c0_i32_0, %arg0, %c0_i32_1 : i32, i32, i32, i32
  }
  func.func @transform_2(%arg0: i32) -> (i32, i32) {
    %c0_i32 = arith.constant 0 : i32
    %c0_i32_0 = arith.constant 0 : i32
    %c0_i32_1 = arith.constant 0 : i32
    return %c0_i32, %c0_i32_0 : i32, i32
  }
  func.func @transform_3(%arg0: i32) -> (i32, i32) {
    %c0_i32 = arith.constant 0 : i32
    %c0_i32_0 = arith.constant 0 : i32
    return %arg0, %c0_i32 : i32, i32
  }
}

</mosaic_0001>

<sc_bundles>
// kernel: kernel.11.cloned.1.call-start
scs
__scs_entry_jumppad:
0x0: {  	(pc) =	sbr.rel $0x88, $3  }
0x1: {  	(tag) =	ssettag $0x0;
	lr =	simm.s32 $0x1  }
0x2: {  	[smem:$0x3F9D] =	sst lr;
	_ =	strace $0xD0000000  }
0x3: {  	_ = 	snop  }
0x4: {  	_ = 	snop  }
0x5: {  	_ = 	snop  }
0x6: {  	_ = 	snop  }
0x7: {  	_ = 	snop  }
__scs_overlays_trampoline_lowered:
0x8: {  	[smem:$0x3FAC] =	sst s0  }
0x9: {  	[smem:$0x3FAD] =	sst s1  }
0xa: {  	[smem:$0x3FAE] =	sst s2  }
0xb: {  	[smem:$0x3FAF] =	sst s3  }
0xc: {  	[smem:$0x3FB0] =	sst s4  }
0xd: {  	[smem:$0x3FB1] =	sst s5  }
0xe: {  	[smem:$0x3FB2] =	sst s6  }
0xf: {  	[smem:$0x3FB3] =	sst s7  }
0x10: {  	[smem:$0x3FB4] =	sst s8  }
0x11: {  	[smem:$0x3FB5] =	sst s9;
	s0 =	simm.s32 @!p0 $0x0  }
0x12: {  	s1 =	sld [smem:$0x3F9B];
	s0 =	simm.s32 @p0 $0x1  }
0x13: {  	[smem:$0x3FB6] =	sst s0;
	s0 =	simm.s32 @!p1 $0x0  }
0x14: {  	s2 =	sld [smem:$0x3F9A];
	s0 =	simm.s32 @p1 $0x1  }
0x15: {  	[smem:$0x3FB7] =	sst s0;
	s0 =	simm.s32 @!p2 $0x0  }
0x16: {  	s3 =	sld [smem:$0x3FDB];
	s0 =	simm.s32 @p2 $0x1  }
0x17: {  	s4 =	simm.s32 $0x1BF5;
	[smem:$0x3FB9] =	sst s0  }
0x18: {  	s0 =	sld [smem:$0x3F9C];
	_ =	swait.ge [sflag:s4], $0x0  }
0x19: {  	s7 =	sld [smem:$0x3F9D]  }
0x1a: {  	s8 =	sadd.s32 $0xFFFFE003, lr  }
0x1b: {  	s9 =	sadd.s32 $0xFFFFFEF7, lr;
	s5 =	simm.s32 $0xFFFFFFFF;
	p2 =	slt.u32 s8, $0xFFFFF086  }
0x1c: {  	p1 =	slt.u32 s9, $0xF7A;
	s5 =	simm.s32 @!p2 $0x0  }
0x1d: {  	s5 =	simm.s32 @p1 $0x1;
	p0 =	seq.s32 s7, s2  }
0x1e: {  	s7 =	smul.u32 @!p0 $0xF7A, s2;
	p2 =	seq.s32 @!p0 s5, $0x0  }
0x1f: {  	s9 =	smul.u32 $0xF7A, s1;
	s8 =	simm.s32 @!p0 $0x1BF5;
	p2 =	por !p2, p0  }
0x20: {  	[sflag:s8] =	ssyncset.s32 @!p0 $0xFFFFF086;
	s6 =	sadd.s32 @!p0 s3, s7;
	s7 =	simm.s32 @!p0 $0x108  }
0x21: {  	s3 =	sadd.s32 s3, s9;
	s6 =	sadd.s32 @!p0 $0x88, s6;
	s7 =	simm.s32 @p2 $0x1082  }
0x22: {  	[simem:s7], [sflag:s8] =	dma.local @!p0 [hbm:s6], $0xF7A  }
0x23: {  	s9 =	sor.u32 $0xD0000000, s2;
	s6 =	simm.s32 $0x108;
	_ =	swait.ge @!p0 [sflag:s8], $0x0  }
0x24: {  	s3 =	sadd.s32 $0x88, s3;
	s6 =	simm.s32 @!p1 $0x1082;
	[sflag:s4] =	ssyncset.s32 $0xFFFFF086  }
0x25: {  	[simem:s6], [sflag:s4] =	dma.local [hbm:s3], $0xF7A  }
0x26: {  	[smem:$0x3F9D] =	sst s1;
	(tag) =	ssettag s2;
	_ =	strace s9  }
0x27: {  	s1 =	sld [smem:$0x3FAD]  }
0x28: {  	s2 =	sld [smem:$0x3FAE]  }
0x29: {  	s4 =	sld [smem:$0x3FB0]  }
0x2a: {  	p0 =	seq.s32 s5, $0x0;
	s5 =	sld [smem:$0x3FB1]  }
0x2b: {  	s6 =	sld [smem:$0x3FB2]  }
0x2c: {  	s7 =	sld [smem:$0x3FB3]  }
0x2d: {  	s3 =	simm.s32 $0x108;
	s8 =	sld [smem:$0x3FB4]  }
0x2e: {  	s3 =	simm.s32 @!p0 $0x1082;
	s9 =	sld [smem:$0x3FB5]  }
0x2f: {  	lr =	sadd.s32 s0, s3;
	s0 =	sld [smem:$0x3FAC]  }
0x30: {  	s3 =	sld [smem:$0x3FAF]  }
0x31: {  	[smem:$0x3FB8] =	sst s10  }
0x32: {  	s10 =	sld [smem:$0x3FB6];
	_ =	sdelay $0x3  }
0x33: {  	p0 =	seq.s32 s10, $0x1;
	s10 =	sld [smem:$0x3FB8];
	_ =	sdelay $0x3  }
0x34: {  	[smem:$0x3FB8] =	sst s10  }
0x35: {  	s10 =	sld [smem:$0x3FB7];
	_ =	sdelay $0x3  }
0x36: {  	p1 =	seq.s32 s10, $0x1;
	s10 =	sld [smem:$0x3FB8];
	_ =	sdelay $0x3  }
0x37: {  	[smem:$0x3FB8] =	sst s10  }
0x38: {  	s10 =	sld [smem:$0x3FB9]  }
0x39: {  	_ = 	snop;
	(pc) =	sbr.ind lr, $3  }
0x3a: {  	_ = 	snop  }
0x3b: {  	_ = 	snop  }
0x3c: {  	p2 =	seq.s32 s10, $0x1;
	s10 =	sld [smem:$0x3FB8]  }
0x3d: {  	_ =	shalt  }
0x3e: {  	_ =	shalt  }
0x3f: {  	_ =	shalt  }
0x40: {  	_ =	shalt  }
0x41: {  	_ =	shalt  }
0x42: {  	_ =	shalt  }
0x43: {  	_ =	shalt  }
0x44: {  	_ =	shalt  }
0x45: {  	_ =	shalt  }
0x46: {  	_ =	shalt  }
0x47: {  	_ =	shalt  }
0x48: {  	_ =	shalt  }
0x49: {  	_ =	shalt  }
0x4a: {  	_ =	shalt  }
0x4b: {  	_ =	shalt  }
0x4c: {  	_ =	shalt  }
0x4d: {  	_ =	shalt  }
0x4e: {  	_ =	shalt  }
0x4f: {  	_ =	shalt  }
0x50: {  	_ =	shalt  }
0x51: {  	_ =	shalt  }
0x52: {  	_ =	shalt  }
0x53: {  	_ =	shalt  }
0x54: {  	_ =	shalt  }
0x55: {  	_ =	shalt  }
0x56: {  	_ =	shalt  }
0x57: {  	_ =	shalt  }
0x58: {  	_ =	shalt  }
0x59: {  	_ =	shalt  }
0x5a: {  	_ =	shalt  }
0x5b: {  	_ =	shalt  }
0x5c: {  	_ =	shalt  }
0x5d: {  	_ =	shalt  }
0x5e: {  	_ =	shalt  }
0x5f: {  	_ =	shalt  }
0x60: {  	_ =	shalt  }
0x61: {  	_ =	shalt  }
0x62: {  	_ =	shalt  }
0x63: {  	_ =	shalt  }
0x64: {  	_ =	shalt  }
0x65: {  	_ =	shalt  }
0x66: {  	_ =	shalt  }
0x67: {  	_ =	shalt  }
0x68: {  	_ =	shalt  }
0x69: {  	_ =	shalt  }
0x6a: {  	_ =	shalt  }
0x6b: {  	_ =	shalt  }
0x6c: {  	_ =	shalt  }
0x6d: {  	_ =	shalt  }
0x6e: {  	_ =	shalt  }
0x6f: {  	_ =	shalt  }
0x70: {  	_ =	shalt  }
0x71: {  	_ =	shalt  }
0x72: {  	_ =	shalt  }
0x73: {  	_ =	shalt  }
0x74: {  	_ =	shalt  }
0x75: {  	_ =	shalt  }
0x76: {  	_ =	shalt  }
0x77: {  	_ =	shalt  }
0x78: {  	_ =	shalt  }
0x79: {  	_ =	shalt  }
0x7a: {  	_ =	shalt  }
0x7b: {  	_ =	shalt  }
0x7c: {  	_ =	shalt  }
0x7d: {  	_ =	shalt  }
0x7e: {  	_ =	shalt  }
0x7f: {  	_ =	shalt  }
0x80: {  	_ =	shalt  }
0x81: {  	_ =	shalt  }
0x82: {  	_ =	shalt  }
0x83: {  	_ =	shalt  }
0x84: {  	_ =	shalt  }
0x85: {  	_ =	shalt  }
0x86: {  	_ =	shalt  }
0x87: {  	_ =	shalt  }
.Lfunc_end0:
.L_simem_size_0:
called_computation_lowered:
.L_overlay_start_0:
0x88: {  	s2 =	sld [smem:$0x3FD9]  }
0x89: {  	s3 =	sld [smem:$0x3FFE];
	_ =	sdelay $0x1  }
0x8a: {  	s1 =	srdreg.scid  }
0x8b: {  	s0 =	sand.u32 $0x1, s1  }
0x8c: {  	s17 =	sshll.u32 s0, $0xA;
	s2 =	sadd.s32 s3, s2  }
0x8d: {  	s2 =	sadd.s32 s2, s17  }
0x8e: {  	[smem:$0x3FC4] =	sst s2  }
0x8f: {  	_ = 	snop  }
0x90: {  	s2 =	sld [smem:$0x3FD0];
	(tm) =	ssettm $0x1  }
0x91: {  	s18 =	sld [smem:$0x3FFB];
	_ =	sdelay $0x3  }
0x92: {  	_ =	strace s18  }
0x93: {  	s3 =	sld [smem:$0x3FFC];
	_ =	sdelay $0x3  }
0x94: {  	_ =	strace s3  }
0x95: {  	s3 =	sld [smem:$0x3FFD];
	_ =	sdelay $0x3  }
0x96: {  	_ =	strace s3  }
0x97: {  	_ =	strace $0x8FFFFFFF  }
0x98: {  	s19 =	sld [smem:$0x3FDB];
	_ =	sdelay $0x1  }
0x99: {  	s4 =	simm.s32 $_scs_section_size  }
0x9a: {  	s5 =	simm.s32 $_size__tile_overlayer_lowered;
	s6 =	simm.s32 $_tile_overlayer_lowered  }
0x9b: {  	s22 =	simm.s32 $0x1BFF;
	s21 =	sshll.u32 s6, $0x1;
	s3 =	sadd.s32 s4, s19  }
0x9c: {  	s7 =	simm.s32 $0x0;
	s20 =	sshll.u32 s5, $0x1;
	s5 =	sadd.s32 s21, s3  }
0x9d: {  	[timem:s7], [sflag:s22] =	dma.local [hbm:s5], s20  }
0x9e: {  	_ =	swait.ge [sflag:s22], s20  }
0x9f: {  	s4 =	ssub.s32 $0x0, s20;
	[sflag:s22] =	ssyncset.done $0x0  }
0xa0: {  	[sflag:s22] =	ssyncadd.s32 s4;
	_ =	sdelay $0x1  }
0xa1: {  	s23 =	simm.s32 $0x1B8B  }
0xa2: {  	_ =	swait.ge [sflag:s23], $0x1  }
0xa3: {  	[sflag:s23] =	ssyncset.done $0x0  }
0xa4: {  	s25 =	simm.s32 $0x1B8E;
	s24 =	sld [smem:$0x3FFE];
	[sflag:s23] =	ssyncadd.s32 $0xFFFFFFFF  }
0xa5: {  	s26 =	simm.s32 $execute0_lowered;
	[smem:$0x3FD2] =	sst s25  }
0xa6: {  	s5 =	sshll.u32 s26, $0x1;
	_ =	strace $0x80000046;
	[dreg:$0x1] =	wrdreg $0xFFFFFFFF  }
0xa7: {  	s28 =	simm.s32 $_size_execute0_lowered;
	s3 =	sadd.s32 s3, s5;
	[dreg:$0x0] =	wrdreg $0x0  }
0xa8: {  	s5 =	sshll.u32 s28, $0x1;
	[dreg:$0x2] =	wrdreg s3  }
0xa9: {  	[dreg:$0x3] =	wrdreg s5  }
0xaa: {  	[dreg:$0x4] =	wrdreg $0xC0  }
0xab: {  	_ =	task [dreg:s7], $0x5FFFF  }
0xac: {  	[dreg:$0x1] =	wrdreg $0xFFFFFFFF  }
0xad: {  	[dreg:$0x0] =	wrdreg $0x60  }
0xae: {  	[dreg:$0x2] =	wrdreg s2  }
0xaf: {  	[dreg:$0x3] =	wrdreg s24  }
0xb0: {  	[dreg:$0x4] =	wrdreg $0x9  }
0xb1: {  	_ =	task.clear_ibuf [dreg:s7], $0x5FFFF;
	_ =	strace $0x90000046  }
0xb2: {  	s29 =	simm.s32 $0x9;
	_ =	strace $0x80000048  }
0xb3: {  	_ =	swait.ge [sflag:s29], $0x1  }
0xb4: {  	[sflag:s29] =	ssyncadd.s32 $0xFFFFFFFF  }
0xb5: {  	_ =	strace $0x90000048  }
0xb6: {  	_ =	sfence  }
0xb7: {  	s30 =	sld [smem:$0x0];
	_ =	sdelay $0x2  }
0xb8: {  	s31 =	sshll.u32 s1, $0xD;
	s1 =	sshrl.u32 s1, $0x2  }
0xb9: {  	s3 =	sand.u32 $0x4000, s31;
	s1 =	sadd.s32 s1, s30  }
0xba: {  	s0 =	sor.u32 s3, s0;
	s1 =	sshll.u32 s1, $0x11  }
0xbb: {  	s0 =	sor.u32 s1, s0  }
0xbc: {  	s0 =	sadd.s32 $0x8F2B, s0  }
0xbd: {  	[sflag:s0] =	ssyncadd.remote.s32 $0x1  }
0xbe: {  	_ =	sfence.sel $0xFFFF  }
0xbf: {  	[dreg:$0x0] =	wrdreg $0xFFFFFFFF;
	(pc) =	sbr.abs _section_cstart, $3  }
0xc0: {  	[dreg:$0x1] =	wrdreg $0xFFFFFFFF  }
0xc1: {  	_ =	task.clear_ibuf [dreg:s7], $0x2FFFF;
	_ =	strace $0x9FFFFFFF  }
0xc2: {  	(tm) =	ssettm $0x7FFFFFFF  }
0xc3: {  	_ =	shalt  }
tec
execute0_lowered:
.L_overlay_start_1:
0x0: {  	(tag) =	ssettag $0x1  }
0x1: {  	s0 =	stileid.u32  }
0x2: {  	s1 =	rddreg [dreg:$0x0];
	s4 =	smul.u32 $0x300, s0  }
0x3: {  	s2 =	srdreg.scid;
	s7 =	smul.u32 $0x6000, s0  }
0x4: {  	s5 =	rddreg [dreg:$0x1];
	s6 =	sand.u32 $0x1, s2;
	s11 =	smul.u32 $0x18000, s0  }
0x5: {  	s3 =	simm.s32 $0x0;
	s2 =	rddreg [dreg:$0x2];
	s9 =	smul.u32 $0x3000, s6  }
0x6: {  	[smem:$0x7FF] =	sst s3;
	s30 =	smul.u32 $0x180, s6  }
0x7: {  	s8 =	ssub.s32 $0x2, s6;
	_ =	strace $0x80000047;
	s13 =	smul.u32 $0xC000, s6  }
0x8: {  	s10 =	sshrl.u32 s8, $0x1;
	s12 =	sadd.s32 s4, s5;
	s4 =	sadd.s32 $0x6600, s5  }
0x9: {  	s8 =	ssub.s32 s8, s10;
	s31 =	sadd.s32 s30, s12;
	s6 =	sadd.s32 s9, s7  }
0xa: {  	s7 =	sadd.s32 s13, s11;
	s9 =	simm.s32 $0x1;
	s10 =	simm.s32 $0x80  }
0xb: {  	s11 =	simm.s32 $0x0;
	s5 =	smax.u32 s8, $0x1;
	s8 =	sadd.s32 $0x3600, s31  }
.LBB2_1:
0xc: {  	s12 =	sadd.s32 $0x0, s8  }
0xd: {  	[tilespmem:s3], [sflag:$0x1] =	stream.linear.gather [hbm4b:s12+s3], $0x80, $0x38;
	[tilespmem:$0x4080] =	vst v63  }
0xe: {  	s31 =	sand.u32 $0xF800, s7;
	_ =	swait.ge [sflag:s9], $0x80  }
0xf: {  	s13 =	sand.u32 $0xFFF0000, s6;
	s12 =	sadd.s32 s1, s31;
	[sflag:s9] =	ssyncset.done $0x0  }
0x10: {  	s12 =	sadd.s32 s13, s12;
	[sflag:s9] =	ssyncadd.s32 $0xFFFFFF80  }
0x11: {  	[tilespmem:s10], [sflag:$0x1] =	stream.linear.gather [hbm4b:s12+s3], $0x4000, $0x38;
	[tilespmem:$0x4080] =	vst v63  }
0x12: {  	_ =	swait.ge [sflag:s9], $0x4000  }
0x13: {  	[sflag:s9] =	ssyncset.done $0x0  }
0x14: {  	[sflag:s9] =	ssyncadd.s32 $0xFFFFC000  }
0x15: {  	[hbm4b:s4+s10] =	stream.indirect.scatter [tilespmem:s10], [sflag:$0x1], $0x80, s3, s10, $0xb8;
	[tilespmem:$0x4080] =	vst v63  }
0x16: {  	s14 =	simm.s32 $0x10;
	s15 =	simm.s32 $0x20;
	_ =	swait.ge [sflag:s9], $0x4000  }
0x17: {  	s13 =	sadd.s32 $0x800, s7;
	s12 =	sadd.s32 $0x200, s6;
	[sflag:s9] =	ssyncset.done $0x0  }
.LBB2_2:
0x18: {  	s16 =	sadd.s32 s14, s8  }
0x19: {  	[sflag:s9] =	ssyncadd.s32 $0xFFFFC000;
	s14 =	smov.u32 s15;
	s17 =	sadd.s32 $0x10, s15  }
0x1a: {  	[tilespmem:s3], [sflag:$0x1] =	stream.linear.gather [hbm4b:s16+s3], $0x80, $0x38;
	[tilespmem:$0x4080] =	vst v63  }
0x1b: {  	p0 =	sne.s32 s15, $0x170;
	s15 =	sand.u32 $0xF800, s13;
	_ =	swait.ge [sflag:s9], $0x80  }
0x1c: {  	s16 =	sand.u32 $0xFFF0000, s12;
	s15 =	sadd.s32 s1, s15;
	[sflag:s9] =	ssyncset.done $0x0  }
0x1d: {  	s15 =	sadd.s32 s16, s15;
	[sflag:s9] =	ssyncadd.s32 $0xFFFFFF80  }
0x1e: {  	[tilespmem:s10], [sflag:$0x1] =	stream.linear.gather [hbm4b:s15+s3], $0x4000, $0x38;
	[tilespmem:$0x4080] =	vst v63  }
0x1f: {  	_ =	swait.ge [sflag:s9], $0x4000  }
.Ltmp0:
0x20: {  	[sflag:s9] =	ssyncset.done $0x0;
	(pc) =	sbr.rel @p0 .LBB2_2-.Ltmp0, $4  }
0x21: {  	[sflag:s9] =	ssyncadd.s32 $0xFFFFC000  }
0x22: {  	[hbm4b:s4+s10] =	stream.indirect.scatter [tilespmem:s10], [sflag:$0x1], $0x80, s3, s10, $0xb8;
	[tilespmem:$0x4080] =	vst v63  }
0x23: {  	s13 =	sadd.s32 $0x800, s13;
	_ =	swait.ge [sflag:s9], $0x4000  }
0x24: {  	s12 =	sadd.s32 $0x200, s12;
	s15 =	smov.u32 s17;
	[sflag:s9] =	ssyncset.done $0x0  }
0x25: {  	s14 =	sadd.s32 s14, s8;
	[sflag:s9] =	ssyncadd.s32 $0xFFFFC000  }
0x26: {  	[tilespmem:s3], [sflag:$0x1] =	stream.linear.gather [hbm4b:s14+s3], $0x80, $0x38;
	[tilespmem:$0x4080] =	vst v63  }
0x27: {  	s13 =	sand.u32 $0xF800, s13;
	_ =	swait.ge [sflag:s9], $0x80  }
0x28: {  	s12 =	sand.u32 $0xFFF0000, s12;
	s13 =	sadd.s32 s1, s13;
	[sflag:s9] =	ssyncset.done $0x0  }
0x29: {  	s12 =	sadd.s32 s12, s13;
	[sflag:s9] =	ssyncadd.s32 $0xFFFFFF80  }
0x2a: {  	[tilespmem:s10], [sflag:$0x1] =	stream.linear.gather [hbm4b:s12+s3], $0x4000, $0x38;
	[tilespmem:$0x4080] =	vst v63  }
0x2b: {  	s11 =	sadd.s32 $0x1, s11;
	_ =	swait.ge [sflag:s9], $0x4000  }
0x2c: {  	p0 =	sne.s32 s11, s5;
	[sflag:s9] =	ssyncset.done $0x0  }
.Ltmp1:
0x2d: {  	[sflag:s9] =	ssyncadd.s32 $0xFFFFC000;
	(pc) =	sbr.rel @p0 .LBB2_1-.Ltmp1, $4  }
0x2e: {  	[hbm4b:s4+s10] =	stream.indirect.scatter [tilespmem:s10], [sflag:$0x1], $0x80, s3, s10, $0xb8;
	[tilespmem:$0x4080] =	vst v63  }
0x2f: {  	_ =	swait.ge [sflag:s9], $0x4000  }
0x30: {  	[sflag:s9] =	ssyncset.done $0x0  }
0x31: {  	[sflag:s9] =	ssyncadd.s32 $0xFFFFC000  }
0x32: {  	_ =	sfence.sel $0x180000  }
0x33: {  	[bflag:$0x0] =	sbarrier.arrive $0xFFFF  }
0x34: {  	p0 =	sne.s32 s0, $0x0;
	_ =	strace $0x90000047  }
0x35: {  	s0 =	sadd.s32 @!p0 $0x100000, s2;
	[bflag:$0x2] =	sbarrier.arrive $0xFFFF  }
0x36: {  	[sflag:s0] =	ssyncadd.tile.s32 @!p0 $0x1;
	_ =	shalt  }
.Lfunc_end2:
_tile_overlayer_lowered:
.L_overlay_start_2:
0x37: {  	(tag) =	ssettag $0x2  }
0x38: {  	s0 =	rddreg [dreg:$0x0];
	s2 =	stileid.u32  }
0x39: {  	s1 =	rddreg [dreg:$0x1];
	p0 =	sne.s32 s2, $0x0  }
0x3a: {  	s3 =	rddreg [dreg:$0x2];
	[bflag:$0x3] =	sbarrier.arrive $0xFFFF;
	s2 =	simm.s32 @!p0 $0x1C01  }
0x3b: {  	[timem:s3], [sflag:s2] =	dma.local @!p0 [hbm:s0], s1  }
0x3c: {  	s0 =	simm.s32 @!p0 $0x1  }
0x3d: {  	_ =	swait.ge @!p0 [sflag:s0], s1  }
0x3e: {  	s1 =	ssub.s32 @!p0 $0x0, s1;
	[sflag:s0] =	ssyncset.done @!p0 $0x0  }
0x3f: {  	[sflag:s0] =	ssyncadd.s32 @!p0 s1  }
0x40: {  	[bflag:$0x3] =	sbarrier.arrive $0xFFFF  }
0x41: {  	_ =	shalt  }

// kernel: kernel.14.cloned.1.call-start
scs
__scs_entry_jumppad:
0x0: {  	(pc) =	sbr.rel $0x88, $3  }
0x1: {  	(tag) =	ssettag $0x0;
	lr =	simm.s32 $0x1  }
0x2: {  	[smem:$0x3F9D] =	sst lr;
	_ =	strace $0xD0000000  }
0x3: {  	_ = 	snop  }
0x4: {  	_ = 	snop  }
0x5: {  	_ = 	snop  }
0x6: {  	_ = 	snop  }
0x7: {  	_ = 	snop  }
__scs_overlays_trampoline_lowered:
0x8: {  	[smem:$0x3FAC] =	sst s0  }
0x9: {  	[smem:$0x3FAD] =	sst s1  }
0xa: {  	[smem:$0x3FAE] =	sst s2  }
0xb: {  	[smem:$0x3FAF] =	sst s3  }
0xc: {  	[smem:$0x3FB0] =	sst s4  }
0xd: {  	[smem:$0x3FB1] =	sst s5  }
0xe: {  	[smem:$0x3FB2] =	sst s6  }
0xf: {  	[smem:$0x3FB3] =	sst s7  }
0x10: {  	[smem:$0x3FB4] =	sst s8  }
0x11: {  	[smem:$0x3FB5] =	sst s9;
	s0 =	simm.s32 @!p0 $0x0  }
0x12: {  	s1 =	sld [smem:$0x3F9B];
	s0 =	simm.s32 @p0 $0x1  }
0x13: {  	[smem:$0x3FB6] =	sst s0;
	s0 =	simm.s32 @!p1 $0x0  }
0x14: {  	s2 =	sld [smem:$0x3F9A];
	s0 =	simm.s32 @p1 $0x1  }
0x15: {  	[smem:$0x3FB7] =	sst s0;
	s0 =	simm.s32 @!p2 $0x0  }
0x16: {  	s3 =	sld [smem:$0x3FDB];
	s0 =	simm.s32 @p2 $0x1  }
0x17: {  	s4 =	simm.s32 $0x1BF5;
	[smem:$0x3FB9] =	sst s0  }
0x18: {  	s0 =	sld [smem:$0x3F9C];
	_ =	swait.ge [sflag:s4], $0x0  }
0x19: {  	s7 =	sld [smem:$0x3F9D]  }
0x1a: {  	s8 =	sadd.s32 $0xFFFFE003, lr  }
0x1b: {  	s9 =	sadd.s32 $0xFFFFFEF7, lr;
	s5 =	simm.s32 $0xFFFFFFFF;
	p2 =	slt.u32 s8, $0xFFFFF086  }
0x1c: {  	p1 =	slt.u32 s9, $0xF7A;
	s5 =	simm.s32 @!p2 $0x0  }
0x1d: {  	s5 =	simm.s32 @p1 $0x1;
	p0 =	seq.s32 s7, s2  }
0x1e: {  	s7 =	smul.u32 @!p0 $0xF7A, s2;
	p2 =	seq.s32 @!p0 s5, $0x0  }
0x1f: {  	s9 =	smul.u32 $0xF7A, s1;
	s8 =	simm.s32 @!p0 $0x1BF5;
	p2 =	por !p2, p0  }
0x20: {  	[sflag:s8] =	ssyncset.s32 @!p0 $0xFFFFF086;
	s6 =	sadd.s32 @!p0 s3, s7;
	s7 =	simm.s32 @!p0 $0x108  }
0x21: {  	s3 =	sadd.s32 s3, s9;
	s6 =	sadd.s32 @!p0 $0x88, s6;
	s7 =	simm.s32 @p2 $0x1082  }
0x22: {  	[simem:s7], [sflag:s8] =	dma.local @!p0 [hbm:s6], $0xF7A  }
0x23: {  	s9 =	sor.u32 $0xD0000000, s2;
	s6 =	simm.s32 $0x108;
	_ =	swait.ge @!p0 [sflag:s8], $0x0  }
0x24: {  	s3 =	sadd.s32 $0x88, s3;
	s6 =	simm.s32 @!p1 $0x1082;
	[sflag:s4] =	ssyncset.s32 $0xFFFFF086  }
0x25: {  	[simem:s6], [sflag:s4] =	dma.local [hbm:s3], $0xF7A  }
0x26: {  	[smem:$0x3F9D] =	sst s1;
	(tag) =	ssettag s2;
	_ =	strace s9  }
0x27: {  	s1 =	sld [smem:$0x3FAD]  }
0x28: {  	s2 =	sld [smem:$0x3FAE]  }
0x29: {  	s4 =	sld [smem:$0x3FB0]  }
0x2a: {  	p0 =	seq.s32 s5, $0x0;
	s5 =	sld [smem:$0x3FB1]  }
0x2b: {  	s6 =	sld [smem:$0x3FB2]  }
0x2c: {  	s7 =	sld [smem:$0x3FB3]  }
0x2d: {  	s3 =	simm.s32 $0x108;
	s8 =	sld [smem:$0x3FB4]  }
0x2e: {  	s3 =	simm.s32 @!p0 $0x1082;
	s9 =	sld [smem:$0x3FB5]  }
0x2f: {  	lr =	sadd.s32 s0, s3;
	s0 =	sld [smem:$0x3FAC]  }
0x30: {  	s3 =	sld [smem:$0x3FAF]  }
0x31: {  	[smem:$0x3FB8] =	sst s10  }
0x32: {  	s10 =	sld [smem:$0x3FB6];
	_ =	sdelay $0x3  }
0x33: {  	p0 =	seq.s32 s10, $0x1;
	s10 =	sld [smem:$0x3FB8];
	_ =	sdelay $0x3  }
0x34: {  	[smem:$0x3FB8] =	sst s10  }
0x35: {  	s10 =	sld [smem:$0x3FB7];
	_ =	sdelay $0x3  }
0x36: {  	p1 =	seq.s32 s10, $0x1;
	s10 =	sld [smem:$0x3FB8];
	_ =	sdelay $0x3  }
0x37: {  	[smem:$0x3FB8] =	sst s10  }
0x38: {  	s10 =	sld [smem:$0x3FB9]  }
0x39: {  	_ = 	snop;
	(pc) =	sbr.ind lr, $3  }
0x3a: {  	_ = 	snop  }
0x3b: {  	_ = 	snop  }
0x3c: {  	p2 =	seq.s32 s10, $0x1;
	s10 =	sld [smem:$0x3FB8]  }
0x3d: {  	_ =	shalt  }
0x3e: {  	_ =	shalt  }
0x3f: {  	_ =	shalt  }
0x40: {  	_ =	shalt  }
0x41: {  	_ =	shalt  }
0x42: {  	_ =	shalt  }
0x43: {  	_ =	shalt  }
0x44: {  	_ =	shalt  }
0x45: {  	_ =	shalt  }
0x46: {  	_ =	shalt  }
0x47: {  	_ =	shalt  }
0x48: {  	_ =	shalt  }
0x49: {  	_ =	shalt  }
0x4a: {  	_ =	shalt  }
0x4b: {  	_ =	shalt  }
0x4c: {  	_ =	shalt  }
0x4d: {  	_ =	shalt  }
0x4e: {  	_ =	shalt  }
0x4f: {  	_ =	shalt  }
0x50: {  	_ =	shalt  }
0x51: {  	_ =	shalt  }
0x52: {  	_ =	shalt  }
0x53: {  	_ =	shalt  }
0x54: {  	_ =	shalt  }
0x55: {  	_ =	shalt  }
0x56: {  	_ =	shalt  }
0x57: {  	_ =	shalt  }
0x58: {  	_ =	shalt  }
0x59: {  	_ =	shalt  }
0x5a: {  	_ =	shalt  }
0x5b: {  	_ =	shalt  }
0x5c: {  	_ =	shalt  }
0x5d: {  	_ =	shalt  }
0x5e: {  	_ =	shalt  }
0x5f: {  	_ =	shalt  }
0x60: {  	_ =	shalt  }
0x61: {  	_ =	shalt  }
0x62: {  	_ =	shalt  }
0x63: {  	_ =	shalt  }
0x64: {  	_ =	shalt  }
0x65: {  	_ =	shalt  }
0x66: {  	_ =	shalt  }
0x67: {  	_ =	shalt  }
0x68: {  	_ =	shalt  }
0x69: {  	_ =	shalt  }
0x6a: {  	_ =	shalt  }
0x6b: {  	_ =	shalt  }
0x6c: {  	_ =	shalt  }
0x6d: {  	_ =	shalt  }
0x6e: {  	_ =	shalt  }
0x6f: {  	_ =	shalt  }
0x70: {  	_ =	shalt  }
0x71: {  	_ =	shalt  }
0x72: {  	_ =	shalt  }
0x73: {  	_ =	shalt  }
0x74: {  	_ =	shalt  }
0x75: {  	_ =	shalt  }
0x76: {  	_ =	shalt  }
0x77: {  	_ =	shalt  }
0x78: {  	_ =	shalt  }
0x79: {  	_ =	shalt  }
0x7a: {  	_ =	shalt  }
0x7b: {  	_ =	shalt  }
0x7c: {  	_ =	shalt  }
0x7d: {  	_ =	shalt  }
0x7e: {  	_ =	shalt  }
0x7f: {  	_ =	shalt  }
0x80: {  	_ =	shalt  }
0x81: {  	_ =	shalt  }
0x82: {  	_ =	shalt  }
0x83: {  	_ =	shalt  }
0x84: {  	_ =	shalt  }
0x85: {  	_ =	shalt  }
0x86: {  	_ =	shalt  }
0x87: {  	_ =	shalt  }
.Lfunc_end0:
.L_simem_size_0:
called_computation.1_lowered:
.L_overlay_start_0:
0x88: {  	s2 =	sld [smem:$0x3FD9]  }
0x89: {  	s3 =	sld [smem:$0x3FFE];
	_ =	sdelay $0x1  }
0x8a: {  	s1 =	srdreg.scid  }
0x8b: {  	s0 =	sand.u32 $0x1, s1  }
0x8c: {  	s17 =	sshll.u32 s0, $0xA;
	s2 =	sadd.s32 s3, s2  }
0x8d: {  	s2 =	sadd.s32 s2, s17  }
0x8e: {  	[smem:$0x3FC4] =	sst s2  }
0x8f: {  	_ = 	snop  }
0x90: {  	(tm) =	ssettm $0x1  }
0x91: {  	s18 =	sld [smem:$0x3FFB];
	_ =	sdelay $0x3  }
0x92: {  	_ =	strace s18  }
0x93: {  	s2 =	sld [smem:$0x3FFC];
	_ =	sdelay $0x3  }
0x94: {  	_ =	strace s2  }
0x95: {  	s2 =	sld [smem:$0x3FFD];
	_ =	sdelay $0x3  }
0x96: {  	_ =	strace s2  }
0x97: {  	_ =	strace $0x8FFFFFFF  }
0x98: {  	s19 =	sld [smem:$0x3FDB];
	_ =	sdelay $0x1  }
0x99: {  	s20 =	simm.s32 $_scs_section_size  }
0x9a: {  	s4 =	simm.s32 $_size__tile_overlayer_lowered;
	s5 =	simm.s32 $_tile_overlayer_lowered  }
0x9b: {  	s6 =	simm.s32 $0x1BFF;
	s21 =	sshll.u32 s5, $0x1;
	s3 =	sadd.s32 s20, s19  }
0x9c: {  	s22 =	simm.s32 $0x0;
	s4 =	sshll.u32 s4, $0x1;
	s5 =	sadd.s32 s21, s3  }
0x9d: {  	[timem:s22], [sflag:s6] =	dma.local [hbm:s5], s4  }
0x9e: {  	_ =	swait.ge [sflag:s6], s4  }
0x9f: {  	s4 =	ssub.s32 $0x0, s4;
	[sflag:s6] =	ssyncset.done $0x0  }
0xa0: {  	[sflag:s6] =	ssyncadd.s32 s4;
	_ =	sdelay $0x1  }
0xa1: {  	s23 =	simm.s32 $0x1B8B  }
0xa2: {  	_ =	swait.ge [sflag:s23], $0x1  }
0xa3: {  	[sflag:s23] =	ssyncset.done $0x0  }
0xa4: {  	[sflag:s23] =	ssyncadd.s32 $0xFFFFFFFF  }
0xa5: {  	s4 =	sld [smem:$0x0]  }
0xa6: {  	s5 =	sand.u32 $0xFFFFFFFE, s1  }
0xa7: {  	p0 =	sne.s32 s1, s5  }
0xa8: {  	s5 =	sshll.u32 @p0 s5, $0xE  }
0xa9: {  	s5 =	sadd.s32 @p0 $0x11B8D, s5;
	s6 =	sshll.u32 @p0 s4, $0x11  }
0xaa: {  	s5 =	sor.u32 @p0 s6, s5  }
0xab: {  	[sflag:s5] =	ssyncadd.remote.s32 @p0 $0x1;
	_ =	sdelay $0x1  }
0xac: {  	s5 =	simm.s32 @p0 $0x1B8D  }
0xad: {  	_ =	swait.eq @p0 [sflag:s5], $0x1  }
0xae: {  	[sflag:s5] =	ssyncadd.s32 @p0 $0xFFFFFFFF  }
0xaf: {  	s6 =	sshll.u32 @!p0 s1, $0xE  }
0xb0: {  	s6 =	sor.u32 @!p0 $0x4000, s6;
	s5 =	simm.s32 @!p0 $0x1B8D  }
0xb1: {  	s4 =	sshll.u32 @!p0 s4, $0x11;
	s6 =	sadd.s32 @!p0 $0x11B8D, s6;
	_ =	swait.eq @!p0 [sflag:s5], $0x1  }
0xb2: {  	s4 =	sor.u32 @!p0 s4, s6;
	[sflag:s5] =	ssyncadd.s32 @!p0 $0xFFFFFFFF  }
0xb3: {  	s25 =	simm.s32 $0x1B8E;
	s24 =	sld [smem:$0x3FFE];
	[sflag:s4] =	ssyncadd.remote.s32 @!p0 $0x1  }
0xb4: {  	s26 =	simm.s32 $execute0_lowered;
	[smem:$0x3FD2] =	sst s25  }
0xb5: {  	s5 =	sshll.u32 s26, $0x1;
	_ =	strace $0x8000004C;
	[dreg:$0x1] =	wrdreg $0xFFFFFFFF  }
0xb6: {  	s28 =	simm.s32 $_size_execute0_lowered;
	s3 =	sadd.s32 s3, s5;
	[dreg:$0x0] =	wrdreg $0x0  }
0xb7: {  	s5 =	sshll.u32 s28, $0x1;
	[dreg:$0x2] =	wrdreg s3  }
0xb8: {  	[dreg:$0x3] =	wrdreg s5  }
0xb9: {  	[dreg:$0x4] =	wrdreg $0xC0  }
0xba: {  	_ =	task [dreg:s22], $0x5FFFF  }
0xbb: {  	[dreg:$0x1] =	wrdreg $0xFFFFFFFF  }
0xbc: {  	[dreg:$0x0] =	wrdreg $0x60  }
0xbd: {  	[dreg:$0x2] =	wrdreg s24  }
0xbe: {  	[dreg:$0x3] =	wrdreg $0x9  }
0xbf: {  	_ =	task.clear_ibuf [dreg:s22], $0x4FFFF;
	_ =	strace $0x9000004C  }
0xc0: {  	s29 =	simm.s32 $0x9;
	_ =	strace $0x8000004E  }
0xc1: {  	_ =	swait.ge [sflag:s29], $0x1  }
0xc2: {  	[sflag:s29] =	ssyncadd.s32 $0xFFFFFFFF  }
0xc3: {  	_ =	strace $0x9000004E  }
0xc4: {  	_ =	sfence  }
0xc5: {  	s30 =	sld [smem:$0x0];
	_ =	sdelay $0x2  }
0xc6: {  	s31 =	sshll.u32 s1, $0xD;
	s1 =	sshrl.u32 s1, $0x2  }
0xc7: {  	s4 =	sand.u32 $0x4000, s31;
	s1 =	sadd.s32 s1, s30  }
0xc8: {  	s0 =	sor.u32 s4, s0;
	s1 =	sshll.u32 s1, $0x11  }
0xc9: {  	s0 =	sor.u32 s1, s0  }
0xca: {  	s0 =	sadd.s32 $0x8F2B, s0  }
0xcb: {  	[sflag:s0] =	ssyncadd.remote.s32 $0x1  }
0xcc: {  	_ =	sfence.sel $0xFFFF  }
0xcd: {  	[dreg:$0x0] =	wrdreg $0xFFFFFFFF;
	(pc) =	sbr.abs _section_cstart, $3  }
0xce: {  	[dreg:$0x1] =	wrdreg $0xFFFFFFFF  }
0xcf: {  	_ =	task.clear_ibuf [dreg:s22], $0x2FFFF;
	_ =	strace $0x9FFFFFFF  }
0xd0: {  	(tm) =	ssettm $0x7FFFFFFF  }
0xd1: {  	_ =	shalt  }
tec
execute0_lowered:
.L_overlay_start_1:
0x0: {  	(tag) =	ssettag $0x1  }
0x1: {  	s4 =	rddreg [dreg:$0x0]  }
0x2: {  	s0 =	rddreg [dreg:$0x1];
	s1 =	stileid.u32  }
0x3: {  	s2 =	simm.s32 $0x0;
	s3 =	srdreg.scid;
	s5 =	smul.u32 $0x300, s1  }
0x4: {  	[smem:$0x7FF] =	sst s2;
	s6 =	smul.u32 $0x18000, s1;
	s7 =	sand.u32 $0x1, s3  }
0x5: {  	s3 =	sadd.s32 $0x369A00, s4;
	s8 =	ssub.s32 $0x2, s7;
	s9 =	smul.u32 $0xC000, s7  }
0x6: {  	_ =	strace $0x8000004D;
	s7 =	smul.u32 $0x180, s7;
	s10 =	sshrl.u32 s8, $0x1  }
0x7: {  	s5 =	sadd.s32 s5, s4;
	s6 =	sadd.s32 s6, s4;
	s31 =	ssub.s32 s8, s10  }
0x8: {  	s6 =	sadd.s32 s9, s6;
	s7 =	sadd.s32 s7, s5;
	s8 =	simm.s32 $0x80  }
0x9: {  	s9 =	simm.s32 $0x1;
	s10 =	simm.s32 $0x0;
	s4 =	smax.u32 s31, $0x1  }
0xa: {  	s5 =	sadd.s32 $0x6600, s6;
	s6 =	sadd.s32 $0x3600, s7;
	s7 =	simm.s32 $0x2  }
.LBB2_1:
0xb: {  	s11 =	sadd.s32 $0x0, s6  }
0xc: {  	[tilespmem:s2], [sflag:$0x2] =	stream.linear.gather [hbm4b:s11+s2], $0x80, $0x38;
	[tilespmem:$0x4080] =	vst v63  }
0xd: {  	_ =	swait.ge [sflag:s7], $0x80  }
0xe: {  	[sflag:s7] =	ssyncset.done $0x0  }
0xf: {  	[sflag:s7] =	ssyncadd.s32 $0xFFFFFF80  }
0x10: {  	[tilespmem:s8], [sflag:$0x1] =	stream.indirect.gather [hbm4b:s3+s8], $0x80, s2, s8, $0xb8;
	[tilespmem:$0x4080] =	vst v63  }
0x11: {  	_ =	swait.ge [sflag:s9], $0x4000  }
0x12: {  	[sflag:s9] =	ssyncset.done $0x0  }
0x13: {  	[sflag:s9] =	ssyncadd.s32 $0xFFFFC000  }
0x14: {  	[hbm4b:s5+s2] =	stream.linear.scatter [tilespmem:s8], [sflag:$0x2], $0x4000, $0x38;
	[tilespmem:$0x4080] =	vst v63  }
0x15: {  	s12 =	simm.s32 $0x10;
	_ =	swait.ge [sflag:s7], $0x4000  }
0x16: {  	s13 =	simm.s32 $0x20;
	s11 =	sadd.s32 $0x800, s5;
	[sflag:s7] =	ssyncset.done $0x0  }
.LBB2_2:
0x17: {  	s14 =	sadd.s32 s12, s6  }
0x18: {  	[sflag:s7] =	ssyncadd.s32 $0xFFFFC000;
	s12 =	smov.u32 s13;
	s15 =	sadd.s32 $0x10, s13  }
0x19: {  	[tilespmem:s2], [sflag:$0x2] =	stream.linear.gather [hbm4b:s14+s2], $0x80, $0x38;
	[tilespmem:$0x4080] =	vst v63  }
0x1a: {  	p0 =	sne.s32 s13, $0x170;
	_ =	swait.ge [sflag:s7], $0x80  }
0x1b: {  	[sflag:s7] =	ssyncset.done $0x0  }
0x1c: {  	[sflag:s7] =	ssyncadd.s32 $0xFFFFFF80  }
0x1d: {  	[tilespmem:s8], [sflag:$0x1] =	stream.indirect.gather [hbm4b:s3+s8], $0x80, s2, s8, $0xb8;
	[tilespmem:$0x4080] =	vst v63  }
0x1e: {  	_ =	swait.ge [sflag:s9], $0x4000  }
.Ltmp0:
0x1f: {  	[sflag:s9] =	ssyncset.done $0x0;
	(pc) =	sbr.rel @p0 .LBB2_2-.Ltmp0, $4  }
0x20: {  	[sflag:s9] =	ssyncadd.s32 $0xFFFFC000  }
0x21: {  	[hbm4b:s11+s2] =	stream.linear.scatter [tilespmem:s8], [sflag:$0x2], $0x4000, $0x38;
	[tilespmem:$0x4080] =	vst v63  }
0x22: {  	_ =	swait.ge [sflag:s7], $0x4000  }
0x23: {  	s13 =	smov.u32 s15;
	s11 =	sadd.s32 $0x800, s11;
	[sflag:s7] =	ssyncset.done $0x0  }
0x24: {  	s12 =	sadd.s32 s12, s6;
	[sflag:s7] =	ssyncadd.s32 $0xFFFFC000  }
0x25: {  	[tilespmem:s2], [sflag:$0x2] =	stream.linear.gather [hbm4b:s12+s2], $0x80, $0x38;
	[tilespmem:$0x4080] =	vst v63  }
0x26: {  	_ =	swait.ge [sflag:s7], $0x80  }
0x27: {  	[sflag:s7] =	ssyncset.done $0x0  }
0x28: {  	[sflag:s7] =	ssyncadd.s32 $0xFFFFFF80  }
0x29: {  	[tilespmem:s8], [sflag:$0x1] =	stream.indirect.gather [hbm4b:s3+s8], $0x80, s2, s8, $0xb8;
	[tilespmem:$0x4080] =	vst v63  }
0x2a: {  	s10 =	sadd.s32 $0x1, s10;
	_ =	swait.ge [sflag:s9], $0x4000  }
0x2b: {  	p0 =	sne.s32 s10, s4;
	[sflag:s9] =	ssyncset.done $0x0  }
.Ltmp1:
0x2c: {  	[sflag:s9] =	ssyncadd.s32 $0xFFFFC000;
	(pc) =	sbr.rel @p0 .LBB2_1-.Ltmp1, $4  }
0x2d: {  	[hbm4b:s11+s2] =	stream.linear.scatter [tilespmem:s8], [sflag:$0x2], $0x4000, $0x38;
	[tilespmem:$0x4080] =	vst v63  }
0x2e: {  	_ =	swait.ge [sflag:s7], $0x4000  }
0x2f: {  	[sflag:s7] =	ssyncset.done $0x0  }
0x30: {  	[sflag:s7] =	ssyncadd.s32 $0xFFFFC000  }
0x31: {  	_ =	sfence.sel $0x180000  }
0x32: {  	[bflag:$0x0] =	sbarrier.arrive $0xFFFF  }
0x33: {  	p0 =	sne.s32 s1, $0x0;
	_ =	strace $0x9000004D  }
0x34: {  	s0 =	sadd.s32 @!p0 $0x100000, s0;
	[bflag:$0x2] =	sbarrier.arrive $0xFFFF  }
0x35: {  	[sflag:s0] =	ssyncadd.tile.s32 @!p0 $0x1;
	_ =	shalt  }
.Lfunc_end2:
_tile_overlayer_lowered:
.L_overlay_start_2:
0x36: {  	(tag) =	ssettag $0x2  }
0x37: {  	s0 =	rddreg [dreg:$0x0];
	s2 =	stileid.u32  }
0x38: {  	s1 =	rddreg [dreg:$0x1];
	p0 =	sne.s32 s2, $0x0  }
0x39: {  	s3 =	rddreg [dreg:$0x2];
	[bflag:$0x3] =	sbarrier.arrive $0xFFFF;
	s2 =	simm.s32 @!p0 $0x1C02  }
0x3a: {  	[timem:s3], [sflag:s2] =	dma.local @!p0 [hbm:s0], s1  }
0x3b: {  	s0 =	simm.s32 @!p0 $0x2  }
0x3c: {  	_ =	swait.ge @!p0 [sflag:s0], s1  }
0x3d: {  	s1 =	ssub.s32 @!p0 $0x0, s1;
	[sflag:s0] =	ssyncset.done @!p0 $0x0  }
0x3e: {  	[sflag:s0] =	ssyncadd.s32 @!p0 s1  }
0x3f: {  	[bflag:$0x3] =	sbarrier.arrive $0xFFFF  }
0x40: {  	_ =	shalt  }

// kernel: kernel.17.cloned.1.call-start
scs
__scs_entry_jumppad:
0x0: {  	(pc) =	sbr.rel $0x88, $3  }
0x1: {  	(tag) =	ssettag $0x0;
	lr =	simm.s32 $0x1  }
0x2: {  	[smem:$0x3F9D] =	sst lr;
	_ =	strace $0xD0000000  }
0x3: {  	_ = 	snop  }
0x4: {  	_ = 	snop  }
0x5: {  	_ = 	snop  }
0x6: {  	_ = 	snop  }
0x7: {  	_ = 	snop  }
__scs_overlays_trampoline_lowered:
0x8: {  	[smem:$0x3FAC] =	sst s0  }
0x9: {  	[smem:$0x3FAD] =	sst s1  }
0xa: {  	[smem:$0x3FAE] =	sst s2  }
0xb: {  	[smem:$0x3FAF] =	sst s3  }
0xc: {  	[smem:$0x3FB0] =	sst s4  }
0xd: {  	[smem:$0x3FB1] =	sst s5  }
0xe: {  	[smem:$0x3FB2] =	sst s6  }
0xf: {  	[smem:$0x3FB3] =	sst s7  }
0x10: {  	[smem:$0x3FB4] =	sst s8  }
0x11: {  	[smem:$0x3FB5] =	sst s9;
	s0 =	simm.s32 @!p0 $0x0  }
0x12: {  	s1 =	sld [smem:$0x3F9B];
	s0 =	simm.s32 @p0 $0x1  }
0x13: {  	[smem:$0x3FB6] =	sst s0;
	s0 =	simm.s32 @!p1 $0x0  }
0x14: {  	s2 =	sld [smem:$0x3F9A];
	s0 =	simm.s32 @p1 $0x1  }
0x15: {  	[smem:$0x3FB7] =	sst s0;
	s0 =	simm.s32 @!p2 $0x0  }
0x16: {  	s3 =	sld [smem:$0x3FDB];
	s0 =	simm.s32 @p2 $0x1  }
0x17: {  	s4 =	simm.s32 $0x1BF5;
	[smem:$0x3FB9] =	sst s0  }
0x18: {  	s0 =	sld [smem:$0x3F9C];
	_ =	swait.ge [sflag:s4], $0x0  }
0x19: {  	s7 =	sld [smem:$0x3F9D]  }
0x1a: {  	s8 =	sadd.s32 $0xFFFFE003, lr  }
0x1b: {  	s9 =	sadd.s32 $0xFFFFFEF7, lr;
	s5 =	simm.s32 $0xFFFFFFFF;
	p2 =	slt.u32 s8, $0xFFFFF086  }
0x1c: {  	p1 =	slt.u32 s9, $0xF7A;
	s5 =	simm.s32 @!p2 $0x0  }
0x1d: {  	s5 =	simm.s32 @p1 $0x1;
	p0 =	seq.s32 s7, s2  }
0x1e: {  	s7 =	smul.u32 @!p0 $0xF7A, s2;
	p2 =	seq.s32 @!p0 s5, $0x0  }
0x1f: {  	s9 =	smul.u32 $0xF7A, s1;
	s8 =	simm.s32 @!p0 $0x1BF5;
	p2 =	por !p2, p0  }
0x20: {  	[sflag:s8] =	ssyncset.s32 @!p0 $0xFFFFF086;
	s6 =	sadd.s32 @!p0 s3, s7;
	s7 =	simm.s32 @!p0 $0x108  }
0x21: {  	s3 =	sadd.s32 s3, s9;
	s6 =	sadd.s32 @!p0 $0x88, s6;
	s7 =	simm.s32 @p2 $0x1082  }
0x22: {  	[simem:s7], [sflag:s8] =	dma.local @!p0 [hbm:s6], $0xF7A  }
0x23: {  	s9 =	sor.u32 $0xD0000000, s2;
	s6 =	simm.s32 $0x108;
	_ =	swait.ge @!p0 [sflag:s8], $0x0  }
0x24: {  	s3 =	sadd.s32 $0x88, s3;
	s6 =	simm.s32 @!p1 $0x1082;
	[sflag:s4] =	ssyncset.s32 $0xFFFFF086  }
0x25: {  	[simem:s6], [sflag:s4] =	dma.local [hbm:s3], $0xF7A  }
0x26: {  	[smem:$0x3F9D] =	sst s1;
	(tag) =	ssettag s2;
	_ =	strace s9  }
0x27: {  	s1 =	sld [smem:$0x3FAD]  }
0x28: {  	s2 =	sld [smem:$0x3FAE]  }
0x29: {  	s4 =	sld [smem:$0x3FB0]  }
0x2a: {  	p0 =	seq.s32 s5, $0x0;
	s5 =	sld [smem:$0x3FB1]  }
0x2b: {  	s6 =	sld [smem:$0x3FB2]  }
0x2c: {  	s7 =	sld [smem:$0x3FB3]  }
0x2d: {  	s3 =	simm.s32 $0x108;
	s8 =	sld [smem:$0x3FB4]  }
0x2e: {  	s3 =	simm.s32 @!p0 $0x1082;
	s9 =	sld [smem:$0x3FB5]  }
0x2f: {  	lr =	sadd.s32 s0, s3;
	s0 =	sld [smem:$0x3FAC]  }
0x30: {  	s3 =	sld [smem:$0x3FAF]  }
0x31: {  	[smem:$0x3FB8] =	sst s10  }
0x32: {  	s10 =	sld [smem:$0x3FB6];
	_ =	sdelay $0x3  }
0x33: {  	p0 =	seq.s32 s10, $0x1;
	s10 =	sld [smem:$0x3FB8];
	_ =	sdelay $0x3  }
0x34: {  	[smem:$0x3FB8] =	sst s10  }
0x35: {  	s10 =	sld [smem:$0x3FB7];
	_ =	sdelay $0x3  }
0x36: {  	p1 =	seq.s32 s10, $0x1;
	s10 =	sld [smem:$0x3FB8];
	_ =	sdelay $0x3  }
0x37: {  	[smem:$0x3FB8] =	sst s10  }
0x38: {  	s10 =	sld [smem:$0x3FB9]  }
0x39: {  	_ = 	snop;
	(pc) =	sbr.ind lr, $3  }
0x3a: {  	_ = 	snop  }
0x3b: {  	_ = 	snop  }
0x3c: {  	p2 =	seq.s32 s10, $0x1;
	s10 =	sld [smem:$0x3FB8]  }
0x3d: {  	_ =	shalt  }
0x3e: {  	_ =	shalt  }
0x3f: {  	_ =	shalt  }
0x40: {  	_ =	shalt  }
0x41: {  	_ =	shalt  }
0x42: {  	_ =	shalt  }
0x43: {  	_ =	shalt  }
0x44: {  	_ =	shalt  }
0x45: {  	_ =	shalt  }
0x46: {  	_ =	shalt  }
0x47: {  	_ =	shalt  }
0x48: {  	_ =	shalt  }
0x49: {  	_ =	shalt  }
0x4a: {  	_ =	shalt  }
0x4b: {  	_ =	shalt  }
0x4c: {  	_ =	shalt  }
0x4d: {  	_ =	shalt  }
0x4e: {  	_ =	shalt  }
0x4f: {  	_ =	shalt  }
0x50: {  	_ =	shalt  }
0x51: {  	_ =	shalt  }
0x52: {  	_ =	shalt  }
0x53: {  	_ =	shalt  }
0x54: {  	_ =	shalt  }
0x55: {  	_ =	shalt  }
0x56: {  	_ =	shalt  }
0x57: {  	_ =	shalt  }
0x58: {  	_ =	shalt  }
0x59: {  	_ =	shalt  }
0x5a: {  	_ =	shalt  }
0x5b: {  	_ =	shalt  }
0x5c: {  	_ =	shalt  }
0x5d: {  	_ =	shalt  }
0x5e: {  	_ =	shalt  }
0x5f: {  	_ =	shalt  }
0x60: {  	_ =	shalt  }
0x61: {  	_ =	shalt  }
0x62: {  	_ =	shalt  }
0x63: {  	_ =	shalt  }
0x64: {  	_ =	shalt  }
0x65: {  	_ =	shalt  }
0x66: {  	_ =	shalt  }
0x67: {  	_ =	shalt  }
0x68: {  	_ =	shalt  }
0x69: {  	_ =	shalt  }
0x6a: {  	_ =	shalt  }
0x6b: {  	_ =	shalt  }
0x6c: {  	_ =	shalt  }
0x6d: {  	_ =	shalt  }
0x6e: {  	_ =	shalt  }
0x6f: {  	_ =	shalt  }
0x70: {  	_ =	shalt  }
0x71: {  	_ =	shalt  }
0x72: {  	_ =	shalt  }
0x73: {  	_ =	shalt  }
0x74: {  	_ =	shalt  }
0x75: {  	_ =	shalt  }
0x76: {  	_ =	shalt  }
0x77: {  	_ =	shalt  }
0x78: {  	_ =	shalt  }
0x79: {  	_ =	shalt  }
0x7a: {  	_ =	shalt  }
0x7b: {  	_ =	shalt  }
0x7c: {  	_ =	shalt  }
0x7d: {  	_ =	shalt  }
0x7e: {  	_ =	shalt  }
0x7f: {  	_ =	shalt  }
0x80: {  	_ =	shalt  }
0x81: {  	_ =	shalt  }
0x82: {  	_ =	shalt  }
0x83: {  	_ =	shalt  }
0x84: {  	_ =	shalt  }
0x85: {  	_ =	shalt  }
0x86: {  	_ =	shalt  }
0x87: {  	_ =	shalt  }
.Lfunc_end0:
.L_simem_size_0:
called_computation.2_lowered:
.L_overlay_start_0:
0x88: {  	s2 =	sld [smem:$0x3FD9]  }
0x89: {  	s3 =	sld [smem:$0x3FFE];
	_ =	sdelay $0x1  }
0x8a: {  	s1 =	srdreg.scid  }
0x8b: {  	s0 =	sand.u32 $0x1, s1  }
0x8c: {  	s17 =	sshll.u32 s0, $0xA;
	s2 =	sadd.s32 s3, s2  }
0x8d: {  	s2 =	sadd.s32 s2, s17  }
0x8e: {  	[smem:$0x3FC4] =	sst s2  }
0x8f: {  	_ = 	snop  }
0x90: {  	(tm) =	ssettm $0x1  }
0x91: {  	s18 =	sld [smem:$0x3FFB];
	_ =	sdelay $0x3  }
0x92: {  	_ =	strace s18  }
0x93: {  	s2 =	sld [smem:$0x3FFC];
	_ =	sdelay $0x3  }
0x94: {  	_ =	strace s2  }
0x95: {  	s2 =	sld [smem:$0x3FFD];
	_ =	sdelay $0x3  }
0x96: {  	_ =	strace s2  }
0x97: {  	_ =	strace $0x8FFFFFFF  }
0x98: {  	s19 =	sld [smem:$0x3FDB];
	_ =	sdelay $0x1  }
0x99: {  	s20 =	simm.s32 $_scs_section_size  }
0x9a: {  	s4 =	simm.s32 $_size__tile_overlayer_lowered;
	s5 =	simm.s32 $_tile_overlayer_lowered  }
0x9b: {  	s6 =	simm.s32 $0x1BFF;
	s21 =	sshll.u32 s5, $0x1;
	s3 =	sadd.s32 s20, s19  }
0x9c: {  	s22 =	simm.s32 $0x0;
	s4 =	sshll.u32 s4, $0x1;
	s5 =	sadd.s32 s21, s3  }
0x9d: {  	[timem:s22], [sflag:s6] =	dma.local [hbm:s5], s4  }
0x9e: {  	_ =	swait.ge [sflag:s6], s4  }
0x9f: {  	s4 =	ssub.s32 $0x0, s4;
	[sflag:s6] =	ssyncset.done $0x0  }
0xa0: {  	[sflag:s6] =	ssyncadd.s32 s4;
	_ =	sdelay $0x1  }
0xa1: {  	s23 =	simm.s32 $0x1B8B  }
0xa2: {  	_ =	swait.ge [sflag:s23], $0x1  }
0xa3: {  	[sflag:s23] =	ssyncset.done $0x0  }
0xa4: {  	[sflag:s23] =	ssyncadd.s32 $0xFFFFFFFF  }
0xa5: {  	s4 =	sld [smem:$0x0]  }
0xa6: {  	s5 =	sand.u32 $0xFFFFFFFE, s1  }
0xa7: {  	p0 =	sne.s32 s1, s5  }
0xa8: {  	s5 =	sshll.u32 @p0 s5, $0xE  }
0xa9: {  	s5 =	sadd.s32 @p0 $0x11B8D, s5;
	s6 =	sshll.u32 @p0 s4, $0x11  }
0xaa: {  	s5 =	sor.u32 @p0 s6, s5  }
0xab: {  	[sflag:s5] =	ssyncadd.remote.s32 @p0 $0x1;
	_ =	sdelay $0x1  }
0xac: {  	s5 =	simm.s32 @p0 $0x1B8D  }
0xad: {  	_ =	swait.eq @p0 [sflag:s5], $0x1  }
0xae: {  	[sflag:s5] =	ssyncadd.s32 @p0 $0xFFFFFFFF  }
0xaf: {  	s6 =	sshll.u32 @!p0 s1, $0xE  }
0xb0: {  	s6 =	sor.u32 @!p0 $0x4000, s6;
	s5 =	simm.s32 @!p0 $0x1B8D  }
0xb1: {  	s4 =	sshll.u32 @!p0 s4, $0x11;
	s6 =	sadd.s32 @!p0 $0x11B8D, s6;
	_ =	swait.eq @!p0 [sflag:s5], $0x1  }
0xb2: {  	s4 =	sor.u32 @!p0 s4, s6;
	[sflag:s5] =	ssyncadd.s32 @!p0 $0xFFFFFFFF  }
0xb3: {  	s25 =	simm.s32 $0x1B8E;
	s24 =	sld [smem:$0x3FFE];
	[sflag:s4] =	ssyncadd.remote.s32 @!p0 $0x1  }
0xb4: {  	s26 =	simm.s32 $execute0_lowered;
	[smem:$0x3FD2] =	sst s25  }
0xb5: {  	s5 =	sshll.u32 s26, $0x1;
	_ =	strace $0x80000049;
	[dreg:$0x1] =	wrdreg $0xFFFFFFFF  }
0xb6: {  	s28 =	simm.s32 $_size_execute0_lowered;
	s3 =	sadd.s32 s3, s5;
	[dreg:$0x0] =	wrdreg $0x0  }
0xb7: {  	s5 =	sshll.u32 s28, $0x1;
	[dreg:$0x2] =	wrdreg s3  }
0xb8: {  	[dreg:$0x3] =	wrdreg s5  }
0xb9: {  	[dreg:$0x4] =	wrdreg $0xC0  }
0xba: {  	_ =	task [dreg:s22], $0x5FFFF  }
0xbb: {  	[dreg:$0x1] =	wrdreg $0xFFFFFFFF  }
0xbc: {  	[dreg:$0x0] =	wrdreg $0x60  }
0xbd: {  	[dreg:$0x2] =	wrdreg s24  }
0xbe: {  	[dreg:$0x3] =	wrdreg $0xA  }
0xbf: {  	_ =	task.clear_ibuf [dreg:s22], $0x4FFFF;
	_ =	strace $0x90000049  }
0xc0: {  	s29 =	simm.s32 $0xA;
	_ =	strace $0x8000004B  }
0xc1: {  	_ =	swait.ge [sflag:s29], $0x1  }
0xc2: {  	[sflag:s29] =	ssyncadd.s32 $0xFFFFFFFF  }
0xc3: {  	_ =	strace $0x9000004B  }
0xc4: {  	_ =	sfence  }
0xc5: {  	s30 =	sld [smem:$0x0];
	_ =	sdelay $0x2  }
0xc6: {  	s31 =	sshll.u32 s1, $0xD;
	s1 =	sshrl.u32 s1, $0x2  }
0xc7: {  	s4 =	sand.u32 $0x4000, s31;
	s1 =	sadd.s32 s1, s30  }
0xc8: {  	s0 =	sor.u32 s4, s0;
	s1 =	sshll.u32 s1, $0x11  }
0xc9: {  	s0 =	sor.u32 s1, s0  }
0xca: {  	s0 =	sadd.s32 $0x8F2B, s0  }
0xcb: {  	[sflag:s0] =	ssyncadd.remote.s32 $0x1  }
0xcc: {  	_ =	sfence.sel $0xFFFF  }
0xcd: {  	[dreg:$0x0] =	wrdreg $0xFFFFFFFF;
	(pc) =	sbr.abs _section_cstart, $3  }
0xce: {  	[dreg:$0x1] =	wrdreg $0xFFFFFFFF  }
0xcf: {  	_ =	task.clear_ibuf [dreg:s22], $0x2FFFF;
	_ =	strace $0x9FFFFFFF  }
0xd0: {  	(tm) =	ssettm $0x7FFFFFFF  }
0xd1: {  	_ =	shalt  }
tec
execute0_lowered:
.L_overlay_start_1:
0x0: {  	(tag) =	ssettag $0x1  }
0x1: {  	s0 =	stileid.u32  }
0x2: {  	s5 =	smul.u32 $0x300, s0  }
0x3: {  	s2 =	srdreg.scid;
	s7 =	smul.u32 $0x6000, s0  }
0x4: {  	s4 =	rddreg [dreg:$0x0];
	s6 =	sand.u32 $0x1, s2;
	s10 =	smul.u32 $0x18000, s0  }
0x5: {  	s1 =	rddreg [dreg:$0x1];
	s2 =	simm.s32 $0x0;
	s8 =	smul.u32 $0x3000, s6  }
0x6: {  	s3 =	ssub.s32 $0x2, s6;
	[smem:$0x7FF] =	sst s2;
	s11 =	smul.u32 $0x180, s6  }
0x7: {  	s13 =	smul.u32 $0xC000, s6;
	s9 =	sshrl.u32 s3, $0x1;
	_ =	strace $0x8000004A  }
0x8: {  	s12 =	sadd.s32 s5, s4;
	s9 =	ssub.s32 s3, s9;
	s3 =	sadd.s32 $0x186600, s4  }
0x9: {  	s4 =	sadd.s32 $0x1E9A00, s4;
	s31 =	sadd.s32 s11, s12;
	s6 =	sadd.s32 s8, s7  }
0xa: {  	s7 =	sadd.s32 s13, s10;
	s10 =	simm.s32 $0x80;
	s11 =	simm.s32 $0x0  }
0xb: {  	s5 =	smax.u32 s9, $0x1;
	s8 =	sadd.s32 $0x1E6A00, s31;
	s9 =	simm.s32 $0x1  }
.LBB2_1:
0xc: {  	s12 =	sadd.s32 $0x0, s8  }
0xd: {  	[tilespmem:s2], [sflag:$0x1] =	stream.linear.gather [hbm4b:s12+s2], $0x80, $0x38;
	[tilespmem:$0x4080] =	vst v63  }
0xe: {  	s31 =	sand.u32 $0xF800, s7;
	_ =	swait.ge [sflag:s9], $0x80  }
0xf: {  	s13 =	sand.u32 $0xFFF0000, s6;
	s12 =	sadd.s32 s3, s31;
	[sflag:s9] =	ssyncset.done $0x0  }
0x10: {  	s12 =	sadd.s32 s13, s12;
	[sflag:s9] =	ssyncadd.s32 $0xFFFFFF80  }
0x11: {  	[tilespmem:s10], [sflag:$0x1] =	stream.linear.gather [hbm4b:s12+s2], $0x4000, $0x38;
	[tilespmem:$0x4080] =	vst v63  }
0x12: {  	_ =	swait.ge [sflag:s9], $0x4000  }
0x13: {  	[sflag:s9] =	ssyncset.done $0x0  }
0x14: {  	[sflag:s9] =	ssyncadd.s32 $0xFFFFC000  }
0x15: {  	[hbm4b:s4+s10] =	stream.indirect.scatter [tilespmem:s10], [sflag:$0x1], $0x80, s2, s10, $0xb8;
	[tilespmem:$0x4080] =	vst v63  }
0x16: {  	s14 =	simm.s32 $0x10;
	s15 =	simm.s32 $0x20;
	_ =	swait.ge [sflag:s9], $0x4000  }
0x17: {  	s13 =	sadd.s32 $0x800, s7;
	s12 =	sadd.s32 $0x200, s6;
	[sflag:s9] =	ssyncset.done $0x0  }
.LBB2_2:
0x18: {  	s16 =	sadd.s32 s14, s8  }
0x19: {  	[sflag:s9] =	ssyncadd.s32 $0xFFFFC000;
	s14 =	smov.u32 s15;
	s17 =	sadd.s32 $0x10, s15  }
0x1a: {  	[tilespmem:s2], [sflag:$0x1] =	stream.linear.gather [hbm4b:s16+s2], $0x80, $0x38;
	[tilespmem:$0x4080] =	vst v63  }
0x1b: {  	p0 =	sne.s32 s15, $0x170;
	s15 =	sand.u32 $0xF800, s13;
	_ =	swait.ge [sflag:s9], $0x80  }
0x1c: {  	s16 =	sand.u32 $0xFFF0000, s12;
	s15 =	sadd.s32 s3, s15;
	[sflag:s9] =	ssyncset.done $0x0  }
0x1d: {  	s15 =	sadd.s32 s16, s15;
	[sflag:s9] =	ssyncadd.s32 $0xFFFFFF80  }
0x1e: {  	[tilespmem:s10], [sflag:$0x1] =	stream.linear.gather [hbm4b:s15+s2], $0x4000, $0x38;
	[tilespmem:$0x4080] =	vst v63  }
0x1f: {  	_ =	swait.ge [sflag:s9], $0x4000  }
.Ltmp0:
0x20: {  	[sflag:s9] =	ssyncset.done $0x0;
	(pc) =	sbr.rel @p0 .LBB2_2-.Ltmp0, $4  }
0x21: {  	[sflag:s9] =	ssyncadd.s32 $0xFFFFC000  }
0x22: {  	[hbm4b:s4+s10] =	stream.indirect.scatter [tilespmem:s10], [sflag:$0x1], $0x80, s2, s10, $0xb8;
	[tilespmem:$0x4080] =	vst v63  }
0x23: {  	s13 =	sadd.s32 $0x800, s13;
	_ =	swait.ge [sflag:s9], $0x4000  }
0x24: {  	s12 =	sadd.s32 $0x200, s12;
	s15 =	smov.u32 s17;
	[sflag:s9] =	ssyncset.done $0x0  }
0x25: {  	s14 =	sadd.s32 s14, s8;
	[sflag:s9] =	ssyncadd.s32 $0xFFFFC000  }
0x26: {  	[tilespmem:s2], [sflag:$0x1] =	stream.linear.gather [hbm4b:s14+s2], $0x80, $0x38;
	[tilespmem:$0x4080] =	vst v63  }
0x27: {  	s13 =	sand.u32 $0xF800, s13;
	_ =	swait.ge [sflag:s9], $0x80  }
0x28: {  	s12 =	sand.u32 $0xFFF0000, s12;
	s13 =	sadd.s32 s3, s13;
	[sflag:s9] =	ssyncset.done $0x0  }
0x29: {  	s12 =	sadd.s32 s12, s13;
	[sflag:s9] =	ssyncadd.s32 $0xFFFFFF80  }
0x2a: {  	[tilespmem:s10], [sflag:$0x1] =	stream.linear.gather [hbm4b:s12+s2], $0x4000, $0x38;
	[tilespmem:$0x4080] =	vst v63  }
0x2b: {  	s11 =	sadd.s32 $0x1, s11;
	_ =	swait.ge [sflag:s9], $0x4000  }
0x2c: {  	p0 =	sne.s32 s11, s5;
	[sflag:s9] =	ssyncset.done $0x0  }
.Ltmp1:
0x2d: {  	[sflag:s9] =	ssyncadd.s32 $0xFFFFC000;
	(pc) =	sbr.rel @p0 .LBB2_1-.Ltmp1, $4  }
0x2e: {  	[hbm4b:s4+s10] =	stream.indirect.scatter [tilespmem:s10], [sflag:$0x1], $0x80, s2, s10, $0xb8;
	[tilespmem:$0x4080] =	vst v63  }
0x2f: {  	_ =	swait.ge [sflag:s9], $0x4000  }
0x30: {  	[sflag:s9] =	ssyncset.done $0x0  }
0x31: {  	[sflag:s9] =	ssyncadd.s32 $0xFFFFC000  }
0x32: {  	_ =	sfence.sel $0x180000  }
0x33: {  	[bflag:$0x0] =	sbarrier.arrive $0xFFFF  }
0x34: {  	p0 =	sne.s32 s0, $0x0;
	_ =	strace $0x9000004A  }
0x35: {  	s0 =	sadd.s32 @!p0 $0x100000, s1;
	[bflag:$0x2] =	sbarrier.arrive $0xFFFF  }
0x36: {  	[sflag:s0] =	ssyncadd.tile.s32 @!p0 $0x1;
	_ =	shalt  }
.Lfunc_end2:
_tile_overlayer_lowered:
.L_overlay_start_2:
0x37: {  	(tag) =	ssettag $0x2  }
0x38: {  	s0 =	rddreg [dreg:$0x0];
	s2 =	stileid.u32  }
0x39: {  	s1 =	rddreg [dreg:$0x1];
	p0 =	sne.s32 s2, $0x0  }
0x3a: {  	s3 =	rddreg [dreg:$0x2];
	[bflag:$0x3] =	sbarrier.arrive $0xFFFF;
	s2 =	simm.s32 @!p0 $0x1C01  }
0x3b: {  	[timem:s3], [sflag:s2] =	dma.local @!p0 [hbm:s0], s1  }
0x3c: {  	s0 =	simm.s32 @!p0 $0x1  }
0x3d: {  	_ =	swait.ge @!p0 [sflag:s0], s1  }
0x3e: {  	s1 =	ssub.s32 @!p0 $0x0, s1;
	[sflag:s0] =	ssyncset.done @!p0 $0x0  }
0x3f: {  	[sflag:s0] =	ssyncadd.s32 @!p0 s1  }
0x40: {  	[bflag:$0x3] =	sbarrier.arrive $0xFFFF  }
0x41: {  	_ =	shalt  }

// kernel: kernel.20.cloned.1.call-start
scs
__scs_entry_jumppad:
0x0: {  	(pc) =	sbr.rel $0x88, $3  }
0x1: {  	(tag) =	ssettag $0x0;
	lr =	simm.s32 $0x1  }
0x2: {  	[smem:$0x3F9D] =	sst lr;
	_ =	strace $0xD0000000  }
0x3: {  	_ = 	snop  }
0x4: {  	_ = 	snop  }
0x5: {  	_ = 	snop  }
0x6: {  	_ = 	snop  }
0x7: {  	_ = 	snop  }
__scs_overlays_trampoline_lowered:
0x8: {  	[smem:$0x3FAC] =	sst s0  }
0x9: {  	[smem:$0x3FAD] =	sst s1  }
0xa: {  	[smem:$0x3FAE] =	sst s2  }
0xb: {  	[smem:$0x3FAF] =	sst s3  }
0xc: {  	[smem:$0x3FB0] =	sst s4  }
0xd: {  	[smem:$0x3FB1] =	sst s5  }
0xe: {  	[smem:$0x3FB2] =	sst s6  }
0xf: {  	[smem:$0x3FB3] =	sst s7  }
0x10: {  	[smem:$0x3FB4] =	sst s8  }
0x11: {  	[smem:$0x3FB5] =	sst s9;
	s0 =	simm.s32 @!p0 $0x0  }
0x12: {  	s1 =	sld [smem:$0x3F9B];
	s0 =	simm.s32 @p0 $0x1  }
0x13: {  	[smem:$0x3FB6] =	sst s0;
	s0 =	simm.s32 @!p1 $0x0  }
0x14: {  	s2 =	sld [smem:$0x3F9A];
	s0 =	simm.s32 @p1 $0x1  }
0x15: {  	[smem:$0x3FB7] =	sst s0;
	s0 =	simm.s32 @!p2 $0x0  }
0x16: {  	s3 =	sld [smem:$0x3FDB];
	s0 =	simm.s32 @p2 $0x1  }
0x17: {  	s4 =	simm.s32 $0x1BF5;
	[smem:$0x3FB9] =	sst s0  }
0x18: {  	s0 =	sld [smem:$0x3F9C];
	_ =	swait.ge [sflag:s4], $0x0  }
0x19: {  	s7 =	sld [smem:$0x3F9D]  }
0x1a: {  	s8 =	sadd.s32 $0xFFFFE003, lr  }
0x1b: {  	s9 =	sadd.s32 $0xFFFFFEF7, lr;
	s5 =	simm.s32 $0xFFFFFFFF;
	p2 =	slt.u32 s8, $0xFFFFF086  }
0x1c: {  	p1 =	slt.u32 s9, $0xF7A;
	s5 =	simm.s32 @!p2 $0x0  }
0x1d: {  	s5 =	simm.s32 @p1 $0x1;
	p0 =	seq.s32 s7, s2  }
0x1e: {  	s7 =	smul.u32 @!p0 $0xF7A, s2;
	p2 =	seq.s32 @!p0 s5, $0x0  }
0x1f: {  	s9 =	smul.u32 $0xF7A, s1;
	s8 =	simm.s32 @!p0 $0x1BF5;
	p2 =	por !p2, p0  }
0x20: {  	[sflag:s8] =	ssyncset.s32 @!p0 $0xFFFFF086;
	s6 =	sadd.s32 @!p0 s3, s7;
	s7 =	simm.s32 @!p0 $0x108  }
0x21: {  	s3 =	sadd.s32 s3, s9;
	s6 =	sadd.s32 @!p0 $0x88, s6;
	s7 =	simm.s32 @p2 $0x1082  }
0x22: {  	[simem:s7], [sflag:s8] =	dma.local @!p0 [hbm:s6], $0xF7A  }
0x23: {  	s9 =	sor.u32 $0xD0000000, s2;
	s6 =	simm.s32 $0x108;
	_ =	swait.ge @!p0 [sflag:s8], $0x0  }
0x24: {  	s3 =	sadd.s32 $0x88, s3;
	s6 =	simm.s32 @!p1 $0x1082;
	[sflag:s4] =	ssyncset.s32 $0xFFFFF086  }
0x25: {  	[simem:s6], [sflag:s4] =	dma.local [hbm:s3], $0xF7A  }
0x26: {  	[smem:$0x3F9D] =	sst s1;
	(tag) =	ssettag s2;
	_ =	strace s9  }
0x27: {  	s1 =	sld [smem:$0x3FAD]  }
0x28: {  	s2 =	sld [smem:$0x3FAE]  }
0x29: {  	s4 =	sld [smem:$0x3FB0]  }
0x2a: {  	p0 =	seq.s32 s5, $0x0;
	s5 =	sld [smem:$0x3FB1]  }
0x2b: {  	s6 =	sld [smem:$0x3FB2]  }
0x2c: {  	s7 =	sld [smem:$0x3FB3]  }
0x2d: {  	s3 =	simm.s32 $0x108;
	s8 =	sld [smem:$0x3FB4]  }
0x2e: {  	s3 =	simm.s32 @!p0 $0x1082;
	s9 =	sld [smem:$0x3FB5]  }
0x2f: {  	lr =	sadd.s32 s0, s3;
	s0 =	sld [smem:$0x3FAC]  }
0x30: {  	s3 =	sld [smem:$0x3FAF]  }
0x31: {  	[smem:$0x3FB8] =	sst s10  }
0x32: {  	s10 =	sld [smem:$0x3FB6];
	_ =	sdelay $0x3  }
0x33: {  	p0 =	seq.s32 s10, $0x1;
	s10 =	sld [smem:$0x3FB8];
	_ =	sdelay $0x3  }
0x34: {  	[smem:$0x3FB8] =	sst s10  }
0x35: {  	s10 =	sld [smem:$0x3FB7];
	_ =	sdelay $0x3  }
0x36: {  	p1 =	seq.s32 s10, $0x1;
	s10 =	sld [smem:$0x3FB8];
	_ =	sdelay $0x3  }
0x37: {  	[smem:$0x3FB8] =	sst s10  }
0x38: {  	s10 =	sld [smem:$0x3FB9]  }
0x39: {  	_ = 	snop;
	(pc) =	sbr.ind lr, $3  }
0x3a: {  	_ = 	snop  }
0x3b: {  	_ = 	snop  }
0x3c: {  	p2 =	seq.s32 s10, $0x1;
	s10 =	sld [smem:$0x3FB8]  }
0x3d: {  	_ =	shalt  }
0x3e: {  	_ =	shalt  }
0x3f: {  	_ =	shalt  }
0x40: {  	_ =	shalt  }
0x41: {  	_ =	shalt  }
0x42: {  	_ =	shalt  }
0x43: {  	_ =	shalt  }
0x44: {  	_ =	shalt  }
0x45: {  	_ =	shalt  }
0x46: {  	_ =	shalt  }
0x47: {  	_ =	shalt  }
0x48: {  	_ =	shalt  }
0x49: {  	_ =	shalt  }
0x4a: {  	_ =	shalt  }
0x4b: {  	_ =	shalt  }
0x4c: {  	_ =	shalt  }
0x4d: {  	_ =	shalt  }
0x4e: {  	_ =	shalt  }
0x4f: {  	_ =	shalt  }
0x50: {  	_ =	shalt  }
0x51: {  	_ =	shalt  }
0x52: {  	_ =	shalt  }
0x53: {  	_ =	shalt  }
0x54: {  	_ =	shalt  }
0x55: {  	_ =	shalt  }
0x56: {  	_ =	shalt  }
0x57: {  	_ =	shalt  }
0x58: {  	_ =	shalt  }
0x59: {  	_ =	shalt  }
0x5a: {  	_ =	shalt  }
0x5b: {  	_ =	shalt  }
0x5c: {  	_ =	shalt  }
0x5d: {  	_ =	shalt  }
0x5e: {  	_ =	shalt  }
0x5f: {  	_ =	shalt  }
0x60: {  	_ =	shalt  }
0x61: {  	_ =	shalt  }
0x62: {  	_ =	shalt  }
0x63: {  	_ =	shalt  }
0x64: {  	_ =	shalt  }
0x65: {  	_ =	shalt  }
0x66: {  	_ =	shalt  }
0x67: {  	_ =	shalt  }
0x68: {  	_ =	shalt  }
0x69: {  	_ =	shalt  }
0x6a: {  	_ =	shalt  }
0x6b: {  	_ =	shalt  }
0x6c: {  	_ =	shalt  }
0x6d: {  	_ =	shalt  }
0x6e: {  	_ =	shalt  }
0x6f: {  	_ =	shalt  }
0x70: {  	_ =	shalt  }
0x71: {  	_ =	shalt  }
0x72: {  	_ =	shalt  }
0x73: {  	_ =	shalt  }
0x74: {  	_ =	shalt  }
0x75: {  	_ =	shalt  }
0x76: {  	_ =	shalt  }
0x77: {  	_ =	shalt  }
0x78: {  	_ =	shalt  }
0x79: {  	_ =	shalt  }
0x7a: {  	_ =	shalt  }
0x7b: {  	_ =	shalt  }
0x7c: {  	_ =	shalt  }
0x7d: {  	_ =	shalt  }
0x7e: {  	_ =	shalt  }
0x7f: {  	_ =	shalt  }
0x80: {  	_ =	shalt  }
0x81: {  	_ =	shalt  }
0x82: {  	_ =	shalt  }
0x83: {  	_ =	shalt  }
0x84: {  	_ =	shalt  }
0x85: {  	_ =	shalt  }
0x86: {  	_ =	shalt  }
0x87: {  	_ =	shalt  }
.Lfunc_end0:
.L_simem_size_0:
called_computation.3_lowered:
.L_overlay_start_0:
0x88: {  	s2 =	sld [smem:$0x3FD9]  }
0x89: {  	s3 =	sld [smem:$0x3FFE];
	_ =	sdelay $0x1  }
0x8a: {  	s1 =	srdreg.scid  }
0x8b: {  	s0 =	sand.u32 $0x1, s1  }
0x8c: {  	s17 =	sshll.u32 s0, $0xA;
	s2 =	sadd.s32 s3, s2  }
0x8d: {  	s2 =	sadd.s32 s2, s17  }
0x8e: {  	[smem:$0x3FC4] =	sst s2  }
0x8f: {  	_ = 	snop  }
0x90: {  	(tm) =	ssettm $0x1  }
0x91: {  	s18 =	sld [smem:$0x3FFB];
	_ =	sdelay $0x3  }
0x92: {  	_ =	strace s18  }
0x93: {  	s2 =	sld [smem:$0x3FFC];
	_ =	sdelay $0x3  }
0x94: {  	_ =	strace s2  }
0x95: {  	s2 =	sld [smem:$0x3FFD];
	_ =	sdelay $0x3  }
0x96: {  	_ =	strace s2  }
0x97: {  	_ =	strace $0x8FFFFFFF  }
0x98: {  	s19 =	sld [smem:$0x3FDB];
	_ =	sdelay $0x1  }
0x99: {  	s20 =	simm.s32 $_scs_section_size  }
0x9a: {  	s4 =	simm.s32 $_size__tile_overlayer_lowered;
	s5 =	simm.s32 $_tile_overlayer_lowered  }
0x9b: {  	s6 =	simm.s32 $0x1BFF;
	s21 =	sshll.u32 s5, $0x1;
	s3 =	sadd.s32 s20, s19  }
0x9c: {  	s22 =	simm.s32 $0x0;
	s4 =	sshll.u32 s4, $0x1;
	s5 =	sadd.s32 s21, s3  }
0x9d: {  	[timem:s22], [sflag:s6] =	dma.local [hbm:s5], s4  }
0x9e: {  	_ =	swait.ge [sflag:s6], s4  }
0x9f: {  	s4 =	ssub.s32 $0x0, s4;
	[sflag:s6] =	ssyncset.done $0x0  }
0xa0: {  	[sflag:s6] =	ssyncadd.s32 s4;
	_ =	sdelay $0x1  }
0xa1: {  	s23 =	simm.s32 $0x1B8B  }
0xa2: {  	_ =	swait.ge [sflag:s23], $0x1  }
0xa3: {  	[sflag:s23] =	ssyncset.done $0x0  }
0xa4: {  	[sflag:s23] =	ssyncadd.s32 $0xFFFFFFFF  }
0xa5: {  	s4 =	sld [smem:$0x0]  }
0xa6: {  	s5 =	sand.u32 $0xFFFFFFFE, s1  }
0xa7: {  	p0 =	sne.s32 s1, s5  }
0xa8: {  	s5 =	sshll.u32 @p0 s5, $0xE  }
0xa9: {  	s5 =	sadd.s32 @p0 $0x11B8D, s5;
	s6 =	sshll.u32 @p0 s4, $0x11  }
0xaa: {  	s5 =	sor.u32 @p0 s6, s5  }
0xab: {  	[sflag:s5] =	ssyncadd.remote.s32 @p0 $0x1;
	_ =	sdelay $0x1  }
0xac: {  	s5 =	simm.s32 @p0 $0x1B8D  }
0xad: {  	_ =	swait.eq @p0 [sflag:s5], $0x1  }
0xae: {  	[sflag:s5] =	ssyncadd.s32 @p0 $0xFFFFFFFF  }
0xaf: {  	s6 =	sshll.u32 @!p0 s1, $0xE  }
0xb0: {  	s6 =	sor.u32 @!p0 $0x4000, s6;
	s5 =	simm.s32 @!p0 $0x1B8D  }
0xb1: {  	s4 =	sshll.u32 @!p0 s4, $0x11;
	s6 =	sadd.s32 @!p0 $0x11B8D, s6;
	_ =	swait.eq @!p0 [sflag:s5], $0x1  }
0xb2: {  	s4 =	sor.u32 @!p0 s4, s6;
	[sflag:s5] =	ssyncadd.s32 @!p0 $0xFFFFFFFF  }
0xb3: {  	s25 =	simm.s32 $0x1B8E;
	s24 =	sld [smem:$0x3FFE];
	[sflag:s4] =	ssyncadd.remote.s32 @!p0 $0x1  }
0xb4: {  	s26 =	simm.s32 $execute0_lowered;
	[smem:$0x3FD2] =	sst s25  }
0xb5: {  	s5 =	sshll.u32 s26, $0x1;
	_ =	strace $0x8000004F;
	[dreg:$0x1] =	wrdreg $0xFFFFFFFF  }
0xb6: {  	s28 =	simm.s32 $_size_execute0_lowered;
	s3 =	sadd.s32 s3, s5;
	[dreg:$0x0] =	wrdreg $0x0  }
0xb7: {  	s5 =	sshll.u32 s28, $0x1;
	[dreg:$0x2] =	wrdreg s3  }
0xb8: {  	[dreg:$0x3] =	wrdreg s5  }
0xb9: {  	[dreg:$0x4] =	wrdreg $0xC0  }
0xba: {  	_ =	task [dreg:s22], $0x5FFFF  }
0xbb: {  	[dreg:$0x1] =	wrdreg $0xFFFFFFFF  }
0xbc: {  	[dreg:$0x0] =	wrdreg $0x60  }
0xbd: {  	[dreg:$0x2] =	wrdreg s24  }
0xbe: {  	[dreg:$0x3] =	wrdreg $0xA  }
0xbf: {  	_ =	task.clear_ibuf [dreg:s22], $0x4FFFF;
	_ =	strace $0x9000004F  }
0xc0: {  	s29 =	simm.s32 $0xA;
	_ =	strace $0x80000051  }
0xc1: {  	_ =	swait.ge [sflag:s29], $0x1  }
0xc2: {  	[sflag:s29] =	ssyncadd.s32 $0xFFFFFFFF  }
0xc3: {  	_ =	strace $0x90000051  }
0xc4: {  	_ =	sfence  }
0xc5: {  	s30 =	sld [smem:$0x0];
	_ =	sdelay $0x2  }
0xc6: {  	s31 =	sshll.u32 s1, $0xD;
	s1 =	sshrl.u32 s1, $0x2  }
0xc7: {  	s4 =	sand.u32 $0x4000, s31;
	s1 =	sadd.s32 s1, s30  }
0xc8: {  	s0 =	sor.u32 s4, s0;
	s1 =	sshll.u32 s1, $0x11  }
0xc9: {  	s0 =	sor.u32 s1, s0  }
0xca: {  	s0 =	sadd.s32 $0x8F2B, s0  }
0xcb: {  	[sflag:s0] =	ssyncadd.remote.s32 $0x1  }
0xcc: {  	_ =	sfence.sel $0xFFFF  }
0xcd: {  	[dreg:$0x0] =	wrdreg $0xFFFFFFFF;
	(pc) =	sbr.abs _section_cstart, $3  }
0xce: {  	[dreg:$0x1] =	wrdreg $0xFFFFFFFF  }
0xcf: {  	_ =	task.clear_ibuf [dreg:s22], $0x2FFFF;
	_ =	strace $0x9FFFFFFF  }
0xd0: {  	(tm) =	ssettm $0x7FFFFFFF  }
0xd1: {  	_ =	shalt  }
tec
execute0_lowered:
.L_overlay_start_1:
0x0: {  	(tag) =	ssettag $0x1  }
0x1: {  	s4 =	rddreg [dreg:$0x0]  }
0x2: {  	s0 =	rddreg [dreg:$0x1];
	s1 =	stileid.u32  }
0x3: {  	s2 =	simm.s32 $0x0;
	s3 =	srdreg.scid;
	s5 =	smul.u32 $0x300, s1  }
0x4: {  	[smem:$0x7FF] =	sst s2;
	s6 =	smul.u32 $0x18000, s1;
	s7 =	sand.u32 $0x1, s3  }
0x5: {  	s3 =	sadd.s32 $0x4E9A00, s4;
	s8 =	ssub.s32 $0x2, s7;
	s9 =	smul.u32 $0xC000, s7  }
0x6: {  	_ =	strace $0x80000050;
	s7 =	smul.u32 $0x180, s7;
	s10 =	sshrl.u32 s8, $0x1  }
0x7: {  	s5 =	sadd.s32 s5, s4;
	s6 =	sadd.s32 s6, s4;
	s31 =	ssub.s32 s8, s10  }
0x8: {  	s6 =	sadd.s32 s9, s6;
	s7 =	sadd.s32 s7, s5;
	s8 =	simm.s32 $0x80  }
0x9: {  	s9 =	simm.s32 $0x1;
	s10 =	simm.s32 $0x0;
	s4 =	smax.u32 s31, $0x1  }
0xa: {  	s5 =	sadd.s32 $0x1E9A00, s6;
	s6 =	sadd.s32 $0x1E6A00, s7;
	s7 =	simm.s32 $0x2  }
.LBB2_1:
0xb: {  	s11 =	sadd.s32 $0x0, s6  }
0xc: {  	[tilespmem:s2], [sflag:$0x2] =	stream.linear.gather [hbm4b:s11+s2], $0x80, $0x38;
	[tilespmem:$0x4080] =	vst v63  }
0xd: {  	_ =	swait.ge [sflag:s7], $0x80  }
0xe: {  	[sflag:s7] =	ssyncset.done $0x0  }
0xf: {  	[sflag:s7] =	ssyncadd.s32 $0xFFFFFF80  }
0x10: {  	[tilespmem:s8], [sflag:$0x1] =	stream.indirect.gather [hbm4b:s3+s8], $0x80, s2, s8, $0xb8;
	[tilespmem:$0x4080] =	vst v63  }
0x11: {  	_ =	swait.ge [sflag:s9], $0x4000  }
0x12: {  	[sflag:s9] =	ssyncset.done $0x0  }
0x13: {  	[sflag:s9] =	ssyncadd.s32 $0xFFFFC000  }
0x14: {  	[hbm4b:s5+s2] =	stream.linear.scatter [tilespmem:s8], [sflag:$0x2], $0x4000, $0x38;
	[tilespmem:$0x4080] =	vst v63  }
0x15: {  	s12 =	simm.s32 $0x10;
	_ =	swait.ge [sflag:s7], $0x4000  }
0x16: {  	s13 =	simm.s32 $0x20;
	s11 =	sadd.s32 $0x800, s5;
	[sflag:s7] =	ssyncset.done $0x0  }
.LBB2_2:
0x17: {  	s14 =	sadd.s32 s12, s6  }
0x18: {  	[sflag:s7] =	ssyncadd.s32 $0xFFFFC000;
	s12 =	smov.u32 s13;
	s15 =	sadd.s32 $0x10, s13  }
0x19: {  	[tilespmem:s2], [sflag:$0x2] =	stream.linear.gather [hbm4b:s14+s2], $0x80, $0x38;
	[tilespmem:$0x4080] =	vst v63  }
0x1a: {  	p0 =	sne.s32 s13, $0x170;
	_ =	swait.ge [sflag:s7], $0x80  }
0x1b: {  	[sflag:s7] =	ssyncset.done $0x0  }
0x1c: {  	[sflag:s7] =	ssyncadd.s32 $0xFFFFFF80  }
0x1d: {  	[tilespmem:s8], [sflag:$0x1] =	stream.indirect.gather [hbm4b:s3+s8], $0x80, s2, s8, $0xb8;
	[tilespmem:$0x4080] =	vst v63  }
0x1e: {  	_ =	swait.ge [sflag:s9], $0x4000  }
.Ltmp0:
0x1f: {  	[sflag:s9] =	ssyncset.done $0x0;
	(pc) =	sbr.rel @p0 .LBB2_2-.Ltmp0, $4  }
0x20: {  	[sflag:s9] =	ssyncadd.s32 $0xFFFFC000  }
0x21: {  	[hbm4b:s11+s2] =	stream.linear.scatter [tilespmem:s8], [sflag:$0x2], $0x4000, $0x38;
	[tilespmem:$0x4080] =	vst v63  }
0x22: {  	_ =	swait.ge [sflag:s7], $0x4000  }
0x23: {  	s13 =	smov.u32 s15;
	s11 =	sadd.s32 $0x800, s11;
	[sflag:s7] =	ssyncset.done $0x0  }
0x24: {  	s12 =	sadd.s32 s12, s6;
	[sflag:s7] =	ssyncadd.s32 $0xFFFFC000  }
0x25: {  	[tilespmem:s2], [sflag:$0x2] =	stream.linear.gather [hbm4b:s12+s2], $0x80, $0x38;
	[tilespmem:$0x4080] =	vst v63  }
0x26: {  	_ =	swait.ge [sflag:s7], $0x80  }
0x27: {  	[sflag:s7] =	ssyncset.done $0x0  }
0x28: {  	[sflag:s7] =	ssyncadd.s32 $0xFFFFFF80  }
0x29: {  	[tilespmem:s8], [sflag:$0x1] =	stream.indirect.gather [hbm4b:s3+s8], $0x80, s2, s8, $0xb8;
	[tilespmem:$0x4080] =	vst v63  }
0x2a: {  	s10 =	sadd.s32 $0x1, s10;
	_ =	swait.ge [sflag:s9], $0x4000  }
0x2b: {  	p0 =	sne.s32 s10, s4;
	[sflag:s9] =	ssyncset.done $0x0  }
.Ltmp1:
0x2c: {  	[sflag:s9] =	ssyncadd.s32 $0xFFFFC000;
	(pc) =	sbr.rel @p0 .LBB2_1-.Ltmp1, $4  }
0x2d: {  	[hbm4b:s11+s2] =	stream.linear.scatter [tilespmem:s8], [sflag:$0x2], $0x4000, $0x38;
	[tilespmem:$0x4080] =	vst v63  }
0x2e: {  	_ =	swait.ge [sflag:s7], $0x4000  }
0x2f: {  	[sflag:s7] =	ssyncset.done $0x0  }
0x30: {  	[sflag:s7] =	ssyncadd.s32 $0xFFFFC000  }
0x31: {  	_ =	sfence.sel $0x180000  }
0x32: {  	[bflag:$0x0] =	sbarrier.arrive $0xFFFF  }
0x33: {  	p0 =	sne.s32 s1, $0x0;
	_ =	strace $0x90000050  }
0x34: {  	s0 =	sadd.s32 @!p0 $0x100000, s0;
	[bflag:$0x2] =	sbarrier.arrive $0xFFFF  }
0x35: {  	[sflag:s0] =	ssyncadd.tile.s32 @!p0 $0x1;
	_ =	shalt  }
.Lfunc_end2:
_tile_overlayer_lowered:
.L_overlay_start_2:
0x36: {  	(tag) =	ssettag $0x2  }
0x37: {  	s0 =	rddreg [dreg:$0x0];
	s2 =	stileid.u32  }
0x38: {  	s1 =	rddreg [dreg:$0x1];
	p0 =	sne.s32 s2, $0x0  }
0x39: {  	s3 =	rddreg [dreg:$0x2];
	[bflag:$0x3] =	sbarrier.arrive $0xFFFF;
	s2 =	simm.s32 @!p0 $0x1C02  }
0x3a: {  	[timem:s3], [sflag:s2] =	dma.local @!p0 [hbm:s0], s1  }
0x3b: {  	s0 =	simm.s32 @!p0 $0x2  }
0x3c: {  	_ =	swait.ge @!p0 [sflag:s0], s1  }
0x3d: {  	s1 =	ssub.s32 @!p0 $0x0, s1;
	[sflag:s0] =	ssyncset.done @!p0 $0x0  }
0x3e: {  	[sflag:s0] =	ssyncadd.s32 @!p0 s1  }
0x3f: {  	[bflag:$0x3] =	sbarrier.arrive $0xFFFF  }
0x40: {  	_ =	shalt  }

</sc_bundles>
